<compile_context>
chip_gen: v7x
topology: tpu7x:2x2x1
jax: 0.10.2.dev20260603
libtpu: 0.0.44.dev20260713+nightly
codegen_flags: <defaults>
</compile_context>

<pallas_src>
import functools

import jax
import jax.numpy as jnp
from jax import lax
from jax.experimental import pallas as pl
from jax.experimental.pallas import tpu as pltpu
from jax.experimental.pallas import tpu_sc as plsc

_B = 16384
_S = 200
_D = 32
_TOTAL = _B * _S
_NC = 2
_NS = 16
_NW = _NC * _NS
_RPW = _TOTAL // _NW
_CHUNK = 1024
_NGROUPS = _RPW // _CHUNK
_SUB = 128
_NSUB = _CHUNK // _SUB
_NBUF = 2


@jax.jit
def _sc_gather(idx_flat, table):
  mesh = plsc.VectorSubcoreMesh(core_axis_name="c", subcore_axis_name="s")

  @functools.partial(
      pl.kernel,
      out_type=jax.ShapeDtypeStruct((_TOTAL, _D), jnp.float32),
      mesh=mesh,
      scratch_types=[
          pltpu.VMEM((_NBUF, _CHUNK), jnp.int32),
          pltpu.VMEM((_NBUF, _CHUNK, _D), jnp.float32),
          pltpu.SemaphoreType.DMA,
          pltpu.SemaphoreType.DMA,
          pltpu.SemaphoreType.DMA,
          pltpu.SemaphoreType.DMA,
      ],
      compiler_params=pltpu.CompilerParams(use_tc_tiling_on_sc=False),
  )
  def k(idx_hbm, table_hbm, out_hbm, idx_v, rows_v, g0, g1, w0, w1):
    gsems = (g0, g1)
    wsems = (w0, w1)
    wid = lax.axis_index("s") * _NC + lax.axis_index("c")
    base = wid * _RPW

    def fire_gathers(g, b):
      off = base + g * _CHUNK
      pltpu.sync_copy(idx_hbm.at[pl.ds(off, _CHUNK)], idx_v.at[b])
      for j in range(_NSUB):
        pltpu.async_copy(
            table_hbm.at[idx_v.at[b, pl.ds(j * _SUB, _SUB)]],
            rows_v.at[b, pl.ds(j * _SUB, _SUB)],
            gsems[b],
        )

    def drain_gathers(b):
      for j in range(_NSUB):
        pltpu.make_async_copy(
            table_hbm.at[idx_v.at[b, pl.ds(j * _SUB, _SUB)]],
            rows_v.at[b, pl.ds(j * _SUB, _SUB)],
            gsems[b],
        ).wait()

    def fire_wb(g, b):
      off = base + g * _CHUNK
      pltpu.async_copy(rows_v.at[b], out_hbm.at[pl.ds(off, _CHUNK)], wsems[b])

    def wait_wb(g, b):
      off = base + g * _CHUNK
      pltpu.make_async_copy(
          rows_v.at[b], out_hbm.at[pl.ds(off, _CHUNK)], wsems[b]
      ).wait()

    for b in range(_NBUF):
      fire_gathers(b, b)

    def outer(i, carry):
      g0_ = i * _NBUF
      for b in range(_NBUF):
        g = g0_ + b
        drain_gathers(b)
        fire_wb(g, b)
        wait_wb(g, b)
        fire_gathers(g + _NBUF, b)
      return carry

    lax.fori_loop(0, _NGROUPS // _NBUF - 1, outer, 0)

    gl = _NGROUPS - _NBUF
    for b in range(_NBUF):
      drain_gathers(b)
      fire_wb(gl + b, b)
    for b in range(_NBUF):
      wait_wb(gl + b, b)

  return k(idx_flat, table)


def kernel(indices, codewords):
  idx_flat = indices.reshape(-1).astype(jnp.int32)
  out = _sc_gather(idx_flat, codewords)
  return out.reshape(_B, _S, _D)

# --- scband reference (transcript-rebuilt; emitter-appended) ---
"""Pipeline reference for scband-demopack-codebook-70274254897206 (READ-ONLY COPY).

The authoritative reference and input builder live on the scoring server;
editing this copy changes nothing except your own understanding.
"""

import jax, jax.numpy as jnp
import numpy as np

NUM_CODEWORDS = 1000000
EMBED_DIM = 32
INIT_SCALE = 0.02

def setup_inputs(seed: int = 0) -> dict:
    key = jax.random.key(seed)
    k_idx, k_cw = jax.random.split(key)
    indices = jax.random.randint(k_idx, (16384, 200), 0, NUM_CODEWORDS, dtype=jnp.int64 if jax.config.jax_enable_x64 else jnp.int32)
    # trunc_normal init: truncated normal in [-2, 2] std units, scaled by init_scale
    codewords = jax.random.truncated_normal(k_cw, -2.0, 2.0, (NUM_CODEWORDS, EMBED_DIM), dtype=jnp.float32) * INIT_SCALE
    return {"indices": indices, "codewords": codewords}

def reference(indices, codewords):
    # torch.nn.functional.embedding(indices, codewords) == gather rows
    embedded = jnp.take(codewords, indices, axis=0)
    return embedded

if __name__ == "__main__":
    import jax
    _d = setup_inputs()
    print(jax.jit(kernel)(*tuple(_d.values())))

</pallas_src>

<mosaic_0001>
#map = affine_map<(d0, d1) -> (0)>
#map1 = affine_map<(d0, d1) -> (0, 0)>
module attributes {stable_mosaic.version = 14 : i64} {
  func.func @k(%arg0: i32, %arg1: i32, %arg2: memref<3276800xi32, #tpu.memory_space<hbm>>, %arg3: memref<1000000x32xf32, #tpu.memory_space<hbm>>, %arg4: memref<3276800x32xf32, #tpu.memory_space<hbm>>, %arg5: memref<2x1024xi32, #tpu.memory_space<vmem>>, %arg6: memref<2x1024x32xf32, #tpu.memory_space<vmem>>, %arg7: memref<!tpu.dma_semaphore, #tpu.memory_space<semaphore_mem>>, %arg8: memref<!tpu.dma_semaphore, #tpu.memory_space<semaphore_mem>>, %arg9: memref<!tpu.dma_semaphore, #tpu.memory_space<semaphore_mem>>, %arg10: memref<!tpu.dma_semaphore, #tpu.memory_space<semaphore_mem>>) attributes {dimension_semantics = [#tpu.dimension_semantics<core_parallel>, #tpu.dimension_semantics<subcore_parallel>], iteration_bounds = array<i64: 2, 16>, scalar_prefetch = 0 : i64, scratch_operands = 6 : i64, tpu.core_type = #tpu.core_type<sc_vector_subcore>, window_params = [{transform_indices = #map}, {transform_indices = #map1}, {transform_indices = #map1}]} {
    %mul3A = arith.constant 2 : i32
    %mul3A_0 = arith.muli %arg1, %mul3A : i32
    %add3A = arith.addi %mul3A_0, %arg0 : i32
    %mul3A_1 = arith.constant 102400 : i32
    %mul3A_2 = arith.muli %add3A, %mul3A_1 : i32
    %add3A_3 = arith.constant 0 : i32
    %add3A_4 = arith.addi %mul3A_2, %add3A_3 : i32
    %run_scoped3A = arith.constant 0 : i32
    "tpu.region"() ({
      %run_scoped3A_455 = tpu.sem_alloc : memref<!tpu.dma_semaphore, #tpu.memory_space<semaphore_mem>>
      %dma_start3A_456 = arith.constant 0 : i32
      %dma_start3A_457 = tpu.memref_slice %arg5[%run_scoped3A, %dma_start3A_456] : memref<2x1024xi32, #tpu.memory_space<vmem>> -> memref<1x1024xi32, #tpu.memory_space<vmem>>
      %dma_start3A_458 = tpu.memref_squeeze %dma_start3A_457 : memref<1x1024xi32, #tpu.memory_space<vmem>> -> memref<1024xi32, #tpu.memory_space<vmem>>
      %dma_start3A_459 = tpu.memref_slice %arg2[%add3A_4] : memref<3276800xi32, #tpu.memory_space<hbm>> -> memref<1024xi32, #tpu.memory_space<hbm>>
      %dma_start3A_460 = arith.constant 0 : i32
      %dma_start3A_461 = tpu.memref_slice %arg5[%run_scoped3A, %dma_start3A_460] : memref<2x1024xi32, #tpu.memory_space<vmem>> -> memref<1x1024xi32, #tpu.memory_space<vmem>>
      %dma_start3A_462 = tpu.memref_squeeze %dma_start3A_461 : memref<1x1024xi32, #tpu.memory_space<vmem>> -> memref<1024xi32, #tpu.memory_space<vmem>>
      %dma_start3A_463 = tpu.memref_slice %arg2[%add3A_4] : memref<3276800xi32, #tpu.memory_space<hbm>> -> memref<1024xi32, #tpu.memory_space<hbm>>
      tpu.enqueue_dma source(%dma_start3A_463 : memref<1024xi32, #tpu.memory_space<hbm>>) target(%dma_start3A_462 : memref<1024xi32, #tpu.memory_space<vmem>>) target_semaphore(%run_scoped3A_455 : memref<!tpu.dma_semaphore, #tpu.memory_space<semaphore_mem>>)
      %dma_wait3A_464 = arith.constant 0 : i32
      %dma_wait3A_465 = tpu.memref_slice %arg5[%run_scoped3A, %dma_wait3A_464] : memref<2x1024xi32, #tpu.memory_space<vmem>> -> memref<1x1024xi32, #tpu.memory_space<vmem>>
      %dma_wait3A_466 = tpu.memref_squeeze %dma_wait3A_465 : memref<1x1024xi32, #tpu.memory_space<vmem>> -> memref<1024xi32, #tpu.memory_space<vmem>>
      %dma_wait3A_467 = tpu.memref_slice %arg2[%add3A_4] : memref<3276800xi32, #tpu.memory_space<hbm>> -> memref<1024xi32, #tpu.memory_space<hbm>>
      %dma_wait3A_468 = arith.constant 0 : i32
      %dma_wait3A_469 = tpu.memref_slice %arg5[%run_scoped3A, %dma_wait3A_468] : memref<2x1024xi32, #tpu.memory_space<vmem>> -> memref<1x1024xi32, #tpu.memory_space<vmem>>
      %dma_wait3A_470 = tpu.memref_squeeze %dma_wait3A_469 : memref<1x1024xi32, #tpu.memory_space<vmem>> -> memref<1024xi32, #tpu.memory_space<vmem>>
      %dma_wait3A_471 = tpu.memref_slice %arg2[%add3A_4] : memref<3276800xi32, #tpu.memory_space<hbm>> -> memref<1024xi32, #tpu.memory_space<hbm>>
      tpu.wait_dma2 semaphore(%run_scoped3A_455 : memref<!tpu.dma_semaphore, #tpu.memory_space<semaphore_mem>>) src(%dma_wait3A_471 : memref<1024xi32, #tpu.memory_space<hbm>>) dst(%dma_wait3A_470 : memref<1024xi32, #tpu.memory_space<vmem>>)
      tpu.yield
    }) : () -> ()
    %dma_start3A = arith.constant 0 : i32
    %dma_start3A_5 = arith.constant 0 : i32
    %dma_start3A_6 = arith.constant 0 : i32
    %dma_start3A_7 = arith.constant 0 : i32
    %dma_start3A_8 = tpu.memref_slice %arg6[%dma_start3A_5, %dma_start3A_6, %dma_start3A_7] : memref<2x1024x32xf32, #tpu.memory_space<vmem>> -> memref<1x128x32xf32, #tpu.memory_space<vmem>>
    %dma_start3A_9 = tpu.memref_squeeze %dma_start3A_8 : memref<1x128x32xf32, #tpu.memory_space<vmem>> -> memref<128x32xf32, #tpu.memory_space<vmem>>
    %dma_start3A_10 = arith.constant 0 : i32
    %dma_start3A_11 = tpu.memref_slice %arg5[%dma_start3A, %dma_start3A_10] : memref<2x1024xi32, #tpu.memory_space<vmem>> -> memref<1x128xi32, #tpu.memory_space<vmem>>
    %dma_start3A_12 = tpu.memref_squeeze %dma_start3A_11 : memref<1x128xi32, #tpu.memory_space<vmem>> -> memref<128xi32, #tpu.memory_space<vmem>>
    %dma_start3A_13 = arith.constant 0 : i32
    %dma_start3A_14 = arith.constant 0 : i32
    %dma_start3A_15 = tpu.memref_slice %arg3[%dma_start3A_13, %dma_start3A_14] : memref<1000000x32xf32, #tpu.memory_space<hbm>> -> memref<1000000x32xf32, #tpu.memory_space<hbm>>
    tpu.enqueue_indirect_dma source(%dma_start3A_15 : memref<1000000x32xf32, #tpu.memory_space<hbm>>) target(%dma_start3A_9 : memref<128x32xf32, #tpu.memory_space<vmem>>) offsets(%dma_start3A_12 : memref<128xi32, #tpu.memory_space<vmem>>) semaphore(%arg7 : memref<!tpu.dma_semaphore, #tpu.memory_space<semaphore_mem>>)
    %dma_start3A_16 = arith.constant 0 : i32
    %dma_start3A_17 = arith.constant 0 : i32
    %dma_start3A_18 = arith.constant 128 : i32
    %dma_start3A_19 = arith.constant 0 : i32
    %dma_start3A_20 = tpu.memref_slice %arg6[%dma_start3A_17, %dma_start3A_18, %dma_start3A_19] : memref<2x1024x32xf32, #tpu.memory_space<vmem>> -> memref<1x128x32xf32, #tpu.memory_space<vmem>>
    %dma_start3A_21 = tpu.memref_squeeze %dma_start3A_20 : memref<1x128x32xf32, #tpu.memory_space<vmem>> -> memref<128x32xf32, #tpu.memory_space<vmem>>
    %dma_start3A_22 = arith.constant 128 : i32
    %dma_start3A_23 = tpu.memref_slice %arg5[%dma_start3A_16, %dma_start3A_22] : memref<2x1024xi32, #tpu.memory_space<vmem>> -> memref<1x128xi32, #tpu.memory_space<vmem>>
    %dma_start3A_24 = tpu.memref_squeeze %dma_start3A_23 : memref<1x128xi32, #tpu.memory_space<vmem>> -> memref<128xi32, #tpu.memory_space<vmem>>
    %dma_start3A_25 = arith.constant 0 : i32
    %dma_start3A_26 = arith.constant 0 : i32
    %dma_start3A_27 = tpu.memref_slice %arg3[%dma_start3A_25, %dma_start3A_26] : memref<1000000x32xf32, #tpu.memory_space<hbm>> -> memref<1000000x32xf32, #tpu.memory_space<hbm>>
    tpu.enqueue_indirect_dma source(%dma_start3A_27 : memref<1000000x32xf32, #tpu.memory_space<hbm>>) target(%dma_start3A_21 : memref<128x32xf32, #tpu.memory_space<vmem>>) offsets(%dma_start3A_24 : memref<128xi32, #tpu.memory_space<vmem>>) semaphore(%arg7 : memref<!tpu.dma_semaphore, #tpu.memory_space<semaphore_mem>>)
    %dma_start3A_28 = arith.constant 0 : i32
    %dma_start3A_29 = arith.constant 0 : i32
    %dma_start3A_30 = arith.constant 256 : i32
    %dma_start3A_31 = arith.constant 0 : i32
    %dma_start3A_32 = tpu.memref_slice %arg6[%dma_start3A_29, %dma_start3A_30, %dma_start3A_31] : memref<2x1024x32xf32, #tpu.memory_space<vmem>> -> memref<1x128x32xf32, #tpu.memory_space<vmem>>
    %dma_start3A_33 = tpu.memref_squeeze %dma_start3A_32 : memref<1x128x32xf32, #tpu.memory_space<vmem>> -> memref<128x32xf32, #tpu.memory_space<vmem>>
    %dma_start3A_34 = arith.constant 256 : i32
    %dma_start3A_35 = tpu.memref_slice %arg5[%dma_start3A_28, %dma_start3A_34] : memref<2x1024xi32, #tpu.memory_space<vmem>> -> memref<1x128xi32, #tpu.memory_space<vmem>>
    %dma_start3A_36 = tpu.memref_squeeze %dma_start3A_35 : memref<1x128xi32, #tpu.memory_space<vmem>> -> memref<128xi32, #tpu.memory_space<vmem>>
    %dma_start3A_37 = arith.constant 0 : i32
    %dma_start3A_38 = arith.constant 0 : i32
    %dma_start3A_39 = tpu.memref_slice %arg3[%dma_start3A_37, %dma_start3A_38] : memref<1000000x32xf32, #tpu.memory_space<hbm>> -> memref<1000000x32xf32, #tpu.memory_space<hbm>>
    tpu.enqueue_indirect_dma source(%dma_start3A_39 : memref<1000000x32xf32, #tpu.memory_space<hbm>>) target(%dma_start3A_33 : memref<128x32xf32, #tpu.memory_space<vmem>>) offsets(%dma_start3A_36 : memref<128xi32, #tpu.memory_space<vmem>>) semaphore(%arg7 : memref<!tpu.dma_semaphore, #tpu.memory_space<semaphore_mem>>)
    %dma_start3A_40 = arith.constant 0 : i32
    %dma_start3A_41 = arith.constant 0 : i32
    %dma_start3A_42 = arith.constant 384 : i32
    %dma_start3A_43 = arith.constant 0 : i32
    %dma_start3A_44 = tpu.memref_slice %arg6[%dma_start3A_41, %dma_start3A_42, %dma_start3A_43] : memref<2x1024x32xf32, #tpu.memory_space<vmem>> -> memref<1x128x32xf32, #tpu.memory_space<vmem>>
    %dma_start3A_45 = tpu.memref_squeeze %dma_start3A_44 : memref<1x128x32xf32, #tpu.memory_space<vmem>> -> memref<128x32xf32, #tpu.memory_space<vmem>>
    %dma_start3A_46 = arith.constant 384 : i32
    %dma_start3A_47 = tpu.memref_slice %arg5[%dma_start3A_40, %dma_start3A_46] : memref<2x1024xi32, #tpu.memory_space<vmem>> -> memref<1x128xi32, #tpu.memory_space<vmem>>
    %dma_start3A_48 = tpu.memref_squeeze %dma_start3A_47 : memref<1x128xi32, #tpu.memory_space<vmem>> -> memref<128xi32, #tpu.memory_space<vmem>>
    %dma_start3A_49 = arith.constant 0 : i32
    %dma_start3A_50 = arith.constant 0 : i32
    %dma_start3A_51 = tpu.memref_slice %arg3[%dma_start3A_49, %dma_start3A_50] : memref<1000000x32xf32, #tpu.memory_space<hbm>> -> memref<1000000x32xf32, #tpu.memory_space<hbm>>
    tpu.enqueue_indirect_dma source(%dma_start3A_51 : memref<1000000x32xf32, #tpu.memory_space<hbm>>) target(%dma_start3A_45 : memref<128x32xf32, #tpu.memory_space<vmem>>) offsets(%dma_start3A_48 : memref<128xi32, #tpu.memory_space<vmem>>) semaphore(%arg7 : memref<!tpu.dma_semaphore, #tpu.memory_space<semaphore_mem>>)
    %dma_start3A_52 = arith.constant 0 : i32
    %dma_start3A_53 = arith.constant 0 : i32
    %dma_start3A_54 = arith.constant 512 : i32
    %dma_start3A_55 = arith.constant 0 : i32
    %dma_start3A_56 = tpu.memref_slice %arg6[%dma_start3A_53, %dma_start3A_54, %dma_start3A_55] : memref<2x1024x32xf32, #tpu.memory_space<vmem>> -> memref<1x128x32xf32, #tpu.memory_space<vmem>>
    %dma_start3A_57 = tpu.memref_squeeze %dma_start3A_56 : memref<1x128x32xf32, #tpu.memory_space<vmem>> -> memref<128x32xf32, #tpu.memory_space<vmem>>
    %dma_start3A_58 = arith.constant 512 : i32
    %dma_start3A_59 = tpu.memref_slice %arg5[%dma_start3A_52, %dma_start3A_58] : memref<2x1024xi32, #tpu.memory_space<vmem>> -> memref<1x128xi32, #tpu.memory_space<vmem>>
    %dma_start3A_60 = tpu.memref_squeeze %dma_start3A_59 : memref<1x128xi32, #tpu.memory_space<vmem>> -> memref<128xi32, #tpu.memory_space<vmem>>
    %dma_start3A_61 = arith.constant 0 : i32
    %dma_start3A_62 = arith.constant 0 : i32
    %dma_start3A_63 = tpu.memref_slice %arg3[%dma_start3A_61, %dma_start3A_62] : memref<1000000x32xf32, #tpu.memory_space<hbm>> -> memref<1000000x32xf32, #tpu.memory_space<hbm>>
    tpu.enqueue_indirect_dma source(%dma_start3A_63 : memref<1000000x32xf32, #tpu.memory_space<hbm>>) target(%dma_start3A_57 : memref<128x32xf32, #tpu.memory_space<vmem>>) offsets(%dma_start3A_60 : memref<128xi32, #tpu.memory_space<vmem>>) semaphore(%arg7 : memref<!tpu.dma_semaphore, #tpu.memory_space<semaphore_mem>>)
    %dma_start3A_64 = arith.constant 0 : i32
    %dma_start3A_65 = arith.constant 0 : i32
    %dma_start3A_66 = arith.constant 640 : i32
    %dma_start3A_67 = arith.constant 0 : i32
    %dma_start3A_68 = tpu.memref_slice %arg6[%dma_start3A_65, %dma_start3A_66, %dma_start3A_67] : memref<2x1024x32xf32, #tpu.memory_space<vmem>> -> memref<1x128x32xf32, #tpu.memory_space<vmem>>
    %dma_start3A_69 = tpu.memref_squeeze %dma_start3A_68 : memref<1x128x32xf32, #tpu.memory_space<vmem>> -> memref<128x32xf32, #tpu.memory_space<vmem>>
    %dma_start3A_70 = arith.constant 640 : i32
    %dma_start3A_71 = tpu.memref_slice %arg5[%dma_start3A_64, %dma_start3A_70] : memref<2x1024xi32, #tpu.memory_space<vmem>> -> memref<1x128xi32, #tpu.memory_space<vmem>>
    %dma_start3A_72 = tpu.memref_squeeze %dma_start3A_71 : memref<1x128xi32, #tpu.memory_space<vmem>> -> memref<128xi32, #tpu.memory_space<vmem>>
    %dma_start3A_73 = arith.constant 0 : i32
    %dma_start3A_74 = arith.constant 0 : i32
    %dma_start3A_75 = tpu.memref_slice %arg3[%dma_start3A_73, %dma_start3A_74] : memref<1000000x32xf32, #tpu.memory_space<hbm>> -> memref<1000000x32xf32, #tpu.memory_space<hbm>>
    tpu.enqueue_indirect_dma source(%dma_start3A_75 : memref<1000000x32xf32, #tpu.memory_space<hbm>>) target(%dma_start3A_69 : memref<128x32xf32, #tpu.memory_space<vmem>>) offsets(%dma_start3A_72 : memref<128xi32, #tpu.memory_space<vmem>>) semaphore(%arg7 : memref<!tpu.dma_semaphore, #tpu.memory_space<semaphore_mem>>)
    %dma_start3A_76 = arith.constant 0 : i32
    %dma_start3A_77 = arith.constant 0 : i32
    %dma_start3A_78 = arith.constant 768 : i32
    %dma_start3A_79 = arith.constant 0 : i32
    %dma_start3A_80 = tpu.memref_slice %arg6[%dma_start3A_77, %dma_start3A_78, %dma_start3A_79] : memref<2x1024x32xf32, #tpu.memory_space<vmem>> -> memref<1x128x32xf32, #tpu.memory_space<vmem>>
    %dma_start3A_81 = tpu.memref_squeeze %dma_start3A_80 : memref<1x128x32xf32, #tpu.memory_space<vmem>> -> memref<128x32xf32, #tpu.memory_space<vmem>>
    %dma_start3A_82 = arith.constant 768 : i32
    %dma_start3A_83 = tpu.memref_slice %arg5[%dma_start3A_76, %dma_start3A_82] : memref<2x1024xi32, #tpu.memory_space<vmem>> -> memref<1x128xi32, #tpu.memory_space<vmem>>
    %dma_start3A_84 = tpu.memref_squeeze %dma_start3A_83 : memref<1x128xi32, #tpu.memory_space<vmem>> -> memref<128xi32, #tpu.memory_space<vmem>>
    %dma_start3A_85 = arith.constant 0 : i32
    %dma_start3A_86 = arith.constant 0 : i32
    %dma_start3A_87 = tpu.memref_slice %arg3[%dma_start3A_85, %dma_start3A_86] : memref<1000000x32xf32, #tpu.memory_space<hbm>> -> memref<1000000x32xf32, #tpu.memory_space<hbm>>
    tpu.enqueue_indirect_dma source(%dma_start3A_87 : memref<1000000x32xf32, #tpu.memory_space<hbm>>) target(%dma_start3A_81 : memref<128x32xf32, #tpu.memory_space<vmem>>) offsets(%dma_start3A_84 : memref<128xi32, #tpu.memory_space<vmem>>) semaphore(%arg7 : memref<!tpu.dma_semaphore, #tpu.memory_space<semaphore_mem>>)
    %dma_start3A_88 = arith.constant 0 : i32
    %dma_start3A_89 = arith.constant 0 : i32
    %dma_start3A_90 = arith.constant 896 : i32
    %dma_start3A_91 = arith.constant 0 : i32
    %dma_start3A_92 = tpu.memref_slice %arg6[%dma_start3A_89, %dma_start3A_90, %dma_start3A_91] : memref<2x1024x32xf32, #tpu.memory_space<vmem>> -> memref<1x128x32xf32, #tpu.memory_space<vmem>>
    %dma_start3A_93 = tpu.memref_squeeze %dma_start3A_92 : memref<1x128x32xf32, #tpu.memory_space<vmem>> -> memref<128x32xf32, #tpu.memory_space<vmem>>
    %dma_start3A_94 = arith.constant 896 : i32
    %dma_start3A_95 = tpu.memref_slice %arg5[%dma_start3A_88, %dma_start3A_94] : memref<2x1024xi32, #tpu.memory_space<vmem>> -> memref<1x128xi32, #tpu.memory_space<vmem>>
    %dma_start3A_96 = tpu.memref_squeeze %dma_start3A_95 : memref<1x128xi32, #tpu.memory_space<vmem>> -> memref<128xi32, #tpu.memory_space<vmem>>
    %dma_start3A_97 = arith.constant 0 : i32
    %dma_start3A_98 = arith.constant 0 : i32
    %dma_start3A_99 = tpu.memref_slice %arg3[%dma_start3A_97, %dma_start3A_98] : memref<1000000x32xf32, #tpu.memory_space<hbm>> -> memref<1000000x32xf32, #tpu.memory_space<hbm>>
    tpu.enqueue_indirect_dma source(%dma_start3A_99 : memref<1000000x32xf32, #tpu.memory_space<hbm>>) target(%dma_start3A_93 : memref<128x32xf32, #tpu.memory_space<vmem>>) offsets(%dma_start3A_96 : memref<128xi32, #tpu.memory_space<vmem>>) semaphore(%arg7 : memref<!tpu.dma_semaphore, #tpu.memory_space<semaphore_mem>>)
    %add3A_100 = arith.constant 1024 : i32
    %add3A_101 = arith.addi %mul3A_2, %add3A_100 : i32
    %run_scoped3A_102 = arith.constant 1 : i32
    "tpu.region"() ({
      %run_scoped3A_455 = tpu.sem_alloc : memref<!tpu.dma_semaphore, #tpu.memory_space<semaphore_mem>>
      %dma_start3A_456 = arith.constant 0 : i32
      %dma_start3A_457 = tpu.memref_slice %arg5[%run_scoped3A_102, %dma_start3A_456] : memref<2x1024xi32, #tpu.memory_space<vmem>> -> memref<1x1024xi32, #tpu.memory_space<vmem>>
      %dma_start3A_458 = tpu.memref_squeeze %dma_start3A_457 : memref<1x1024xi32, #tpu.memory_space<vmem>> -> memref<1024xi32, #tpu.memory_space<vmem>>
      %dma_start3A_459 = tpu.memref_slice %arg2[%add3A_101] : memref<3276800xi32, #tpu.memory_space<hbm>> -> memref<1024xi32, #tpu.memory_space<hbm>>
      %dma_start3A_460 = arith.constant 0 : i32
      %dma_start3A_461 = tpu.memref_slice %arg5[%run_scoped3A_102, %dma_start3A_460] : memref<2x1024xi32, #tpu.memory_space<vmem>> -> memref<1x1024xi32, #tpu.memory_space<vmem>>
      %dma_start3A_462 = tpu.memref_squeeze %dma_start3A_461 : memref<1x1024xi32, #tpu.memory_space<vmem>> -> memref<1024xi32, #tpu.memory_space<vmem>>
      %dma_start3A_463 = tpu.memref_slice %arg2[%add3A_101] : memref<3276800xi32, #tpu.memory_space<hbm>> -> memref<1024xi32, #tpu.memory_space<hbm>>
      tpu.enqueue_dma source(%dma_start3A_463 : memref<1024xi32, #tpu.memory_space<hbm>>) target(%dma_start3A_462 : memref<1024xi32, #tpu.memory_space<vmem>>) target_semaphore(%run_scoped3A_455 : memref<!tpu.dma_semaphore, #tpu.memory_space<semaphore_mem>>)
      %dma_wait3A_464 = arith.constant 0 : i32
      %dma_wait3A_465 = tpu.memref_slice %arg5[%run_scoped3A_102, %dma_wait3A_464] : memref<2x1024xi32, #tpu.memory_space<vmem>> -> memref<1x1024xi32, #tpu.memory_space<vmem>>
      %dma_wait3A_466 = tpu.memref_squeeze %dma_wait3A_465 : memref<1x1024xi32, #tpu.memory_space<vmem>> -> memref<1024xi32, #tpu.memory_space<vmem>>
      %dma_wait3A_467 = tpu.memref_slice %arg2[%add3A_101] : memref<3276800xi32, #tpu.memory_space<hbm>> -> memref<1024xi32, #tpu.memory_space<hbm>>
      %dma_wait3A_468 = arith.constant 0 : i32
      %dma_wait3A_469 = tpu.memref_slice %arg5[%run_scoped3A_102, %dma_wait3A_468] : memref<2x1024xi32, #tpu.memory_space<vmem>> -> memref<1x1024xi32, #tpu.memory_space<vmem>>
      %dma_wait3A_470 = tpu.memref_squeeze %dma_wait3A_469 : memref<1x1024xi32, #tpu.memory_space<vmem>> -> memref<1024xi32, #tpu.memory_space<vmem>>
      %dma_wait3A_471 = tpu.memref_slice %arg2[%add3A_101] : memref<3276800xi32, #tpu.memory_space<hbm>> -> memref<1024xi32, #tpu.memory_space<hbm>>
      tpu.wait_dma2 semaphore(%run_scoped3A_455 : memref<!tpu.dma_semaphore, #tpu.memory_space<semaphore_mem>>) src(%dma_wait3A_471 : memref<1024xi32, #tpu.memory_space<hbm>>) dst(%dma_wait3A_470 : memref<1024xi32, #tpu.memory_space<vmem>>)
      tpu.yield
    }) : () -> ()
    %dma_start3A_103 = arith.constant 1 : i32
    %dma_start3A_104 = arith.constant 1 : i32
    %dma_start3A_105 = arith.constant 0 : i32
    %dma_start3A_106 = arith.constant 0 : i32
    %dma_start3A_107 = tpu.memref_slice %arg6[%dma_start3A_104, %dma_start3A_105, %dma_start3A_106] : memref<2x1024x32xf32, #tpu.memory_space<vmem>> -> memref<1x128x32xf32, #tpu.memory_space<vmem>>
    %dma_start3A_108 = tpu.memref_squeeze %dma_start3A_107 : memref<1x128x32xf32, #tpu.memory_space<vmem>> -> memref<128x32xf32, #tpu.memory_space<vmem>>
    %dma_start3A_109 = arith.constant 0 : i32
    %dma_start3A_110 = tpu.memref_slice %arg5[%dma_start3A_103, %dma_start3A_109] : memref<2x1024xi32, #tpu.memory_space<vmem>> -> memref<1x128xi32, #tpu.memory_space<vmem>>
    %dma_start3A_111 = tpu.memref_squeeze %dma_start3A_110 : memref<1x128xi32, #tpu.memory_space<vmem>> -> memref<128xi32, #tpu.memory_space<vmem>>
    %dma_start3A_112 = arith.constant 0 : i32
    %dma_start3A_113 = arith.constant 0 : i32
    %dma_start3A_114 = tpu.memref_slice %arg3[%dma_start3A_112, %dma_start3A_113] : memref<1000000x32xf32, #tpu.memory_space<hbm>> -> memref<1000000x32xf32, #tpu.memory_space<hbm>>
    tpu.enqueue_indirect_dma source(%dma_start3A_114 : memref<1000000x32xf32, #tpu.memory_space<hbm>>) target(%dma_start3A_108 : memref<128x32xf32, #tpu.memory_space<vmem>>) offsets(%dma_start3A_111 : memref<128xi32, #tpu.memory_space<vmem>>) semaphore(%arg8 : memref<!tpu.dma_semaphore, #tpu.memory_space<semaphore_mem>>)
    %dma_start3A_115 = arith.constant 1 : i32
    %dma_start3A_116 = arith.constant 1 : i32
    %dma_start3A_117 = arith.constant 128 : i32
    %dma_start3A_118 = arith.constant 0 : i32
    %dma_start3A_119 = tpu.memref_slice %arg6[%dma_start3A_116, %dma_start3A_117, %dma_start3A_118] : memref<2x1024x32xf32, #tpu.memory_space<vmem>> -> memref<1x128x32xf32, #tpu.memory_space<vmem>>
    %dma_start3A_120 = tpu.memref_squeeze %dma_start3A_119 : memref<1x128x32xf32, #tpu.memory_space<vmem>> -> memref<128x32xf32, #tpu.memory_space<vmem>>
    %dma_start3A_121 = arith.constant 128 : i32
    %dma_start3A_122 = tpu.memref_slice %arg5[%dma_start3A_115, %dma_start3A_121] : memref<2x1024xi32, #tpu.memory_space<vmem>> -> memref<1x128xi32, #tpu.memory_space<vmem>>
    %dma_start3A_123 = tpu.memref_squeeze %dma_start3A_122 : memref<1x128xi32, #tpu.memory_space<vmem>> -> memref<128xi32, #tpu.memory_space<vmem>>
    %dma_start3A_124 = arith.constant 0 : i32
    %dma_start3A_125 = arith.constant 0 : i32
    %dma_start3A_126 = tpu.memref_slice %arg3[%dma_start3A_124, %dma_start3A_125] : memref<1000000x32xf32, #tpu.memory_space<hbm>> -> memref<1000000x32xf32, #tpu.memory_space<hbm>>
    tpu.enqueue_indirect_dma source(%dma_start3A_126 : memref<1000000x32xf32, #tpu.memory_space<hbm>>) target(%dma_start3A_120 : memref<128x32xf32, #tpu.memory_space<vmem>>) offsets(%dma_start3A_123 : memref<128xi32, #tpu.memory_space<vmem>>) semaphore(%arg8 : memref<!tpu.dma_semaphore, #tpu.memory_space<semaphore_mem>>)
    %dma_start3A_127 = arith.constant 1 : i32
    %dma_start3A_128 = arith.constant 1 : i32
    %dma_start3A_129 = arith.constant 256 : i32
    %dma_start3A_130 = arith.constant 0 : i32
    %dma_start3A_131 = tpu.memref_slice %arg6[%dma_start3A_128, %dma_start3A_129, %dma_start3A_130] : memref<2x1024x32xf32, #tpu.memory_space<vmem>> -> memref<1x128x32xf32, #tpu.memory_space<vmem>>
    %dma_start3A_132 = tpu.memref_squeeze %dma_start3A_131 : memref<1x128x32xf32, #tpu.memory_space<vmem>> -> memref<128x32xf32, #tpu.memory_space<vmem>>
    %dma_start3A_133 = arith.constant 256 : i32
    %dma_start3A_134 = tpu.memref_slice %arg5[%dma_start3A_127, %dma_start3A_133] : memref<2x1024xi32, #tpu.memory_space<vmem>> -> memref<1x128xi32, #tpu.memory_space<vmem>>
    %dma_start3A_135 = tpu.memref_squeeze %dma_start3A_134 : memref<1x128xi32, #tpu.memory_space<vmem>> -> memref<128xi32, #tpu.memory_space<vmem>>
    %dma_start3A_136 = arith.constant 0 : i32
    %dma_start3A_137 = arith.constant 0 : i32
    %dma_start3A_138 = tpu.memref_slice %arg3[%dma_start3A_136, %dma_start3A_137] : memref<1000000x32xf32, #tpu.memory_space<hbm>> -> memref<1000000x32xf32, #tpu.memory_space<hbm>>
    tpu.enqueue_indirect_dma source(%dma_start3A_138 : memref<1000000x32xf32, #tpu.memory_space<hbm>>) target(%dma_start3A_132 : memref<128x32xf32, #tpu.memory_space<vmem>>) offsets(%dma_start3A_135 : memref<128xi32, #tpu.memory_space<vmem>>) semaphore(%arg8 : memref<!tpu.dma_semaphore, #tpu.memory_space<semaphore_mem>>)
    %dma_start3A_139 = arith.constant 1 : i32
    %dma_start3A_140 = arith.constant 1 : i32
    %dma_start3A_141 = arith.constant 384 : i32
    %dma_start3A_142 = arith.constant 0 : i32
    %dma_start3A_143 = tpu.memref_slice %arg6[%dma_start3A_140, %dma_start3A_141, %dma_start3A_142] : memref<2x1024x32xf32, #tpu.memory_space<vmem>> -> memref<1x128x32xf32, #tpu.memory_space<vmem>>
    %dma_start3A_144 = tpu.memref_squeeze %dma_start3A_143 : memref<1x128x32xf32, #tpu.memory_space<vmem>> -> memref<128x32xf32, #tpu.memory_space<vmem>>
    %dma_start3A_145 = arith.constant 384 : i32
    %dma_start3A_146 = tpu.memref_slice %arg5[%dma_start3A_139, %dma_start3A_145] : memref<2x1024xi32, #tpu.memory_space<vmem>> -> memref<1x128xi32, #tpu.memory_space<vmem>>
    %dma_start3A_147 = tpu.memref_squeeze %dma_start3A_146 : memref<1x128xi32, #tpu.memory_space<vmem>> -> memref<128xi32, #tpu.memory_space<vmem>>
    %dma_start3A_148 = arith.constant 0 : i32
    %dma_start3A_149 = arith.constant 0 : i32
    %dma_start3A_150 = tpu.memref_slice %arg3[%dma_start3A_148, %dma_start3A_149] : memref<1000000x32xf32, #tpu.memory_space<hbm>> -> memref<1000000x32xf32, #tpu.memory_space<hbm>>
    tpu.enqueue_indirect_dma source(%dma_start3A_150 : memref<1000000x32xf32, #tpu.memory_space<hbm>>) target(%dma_start3A_144 : memref<128x32xf32, #tpu.memory_space<vmem>>) offsets(%dma_start3A_147 : memref<128xi32, #tpu.memory_space<vmem>>) semaphore(%arg8 : memref<!tpu.dma_semaphore, #tpu.memory_space<semaphore_mem>>)
    %dma_start3A_151 = arith.constant 1 : i32
    %dma_start3A_152 = arith.constant 1 : i32
    %dma_start3A_153 = arith.constant 512 : i32
    %dma_start3A_154 = arith.constant 0 : i32
    %dma_start3A_155 = tpu.memref_slice %arg6[%dma_start3A_152, %dma_start3A_153, %dma_start3A_154] : memref<2x1024x32xf32, #tpu.memory_space<vmem>> -> memref<1x128x32xf32, #tpu.memory_space<vmem>>
    %dma_start3A_156 = tpu.memref_squeeze %dma_start3A_155 : memref<1x128x32xf32, #tpu.memory_space<vmem>> -> memref<128x32xf32, #tpu.memory_space<vmem>>
    %dma_start3A_157 = arith.constant 512 : i32
    %dma_start3A_158 = tpu.memref_slice %arg5[%dma_start3A_151, %dma_start3A_157] : memref<2x1024xi32, #tpu.memory_space<vmem>> -> memref<1x128xi32, #tpu.memory_space<vmem>>
    %dma_start3A_159 = tpu.memref_squeeze %dma_start3A_158 : memref<1x128xi32, #tpu.memory_space<vmem>> -> memref<128xi32, #tpu.memory_space<vmem>>
    %dma_start3A_160 = arith.constant 0 : i32
    %dma_start3A_161 = arith.constant 0 : i32
    %dma_start3A_162 = tpu.memref_slice %arg3[%dma_start3A_160, %dma_start3A_161] : memref<1000000x32xf32, #tpu.memory_space<hbm>> -> memref<1000000x32xf32, #tpu.memory_space<hbm>>
    tpu.enqueue_indirect_dma source(%dma_start3A_162 : memref<1000000x32xf32, #tpu.memory_space<hbm>>) target(%dma_start3A_156 : memref<128x32xf32, #tpu.memory_space<vmem>>) offsets(%dma_start3A_159 : memref<128xi32, #tpu.memory_space<vmem>>) semaphore(%arg8 : memref<!tpu.dma_semaphore, #tpu.memory_space<semaphore_mem>>)
    %dma_start3A_163 = arith.constant 1 : i32
    %dma_start3A_164 = arith.constant 1 : i32
    %dma_start3A_165 = arith.constant 640 : i32
    %dma_start3A_166 = arith.constant 0 : i32
    %dma_start3A_167 = tpu.memref_slice %arg6[%dma_start3A_164, %dma_start3A_165, %dma_start3A_166] : memref<2x1024x32xf32, #tpu.memory_space<vmem>> -> memref<1x128x32xf32, #tpu.memory_space<vmem>>
    %dma_start3A_168 = tpu.memref_squeeze %dma_start3A_167 : memref<1x128x32xf32, #tpu.memory_space<vmem>> -> memref<128x32xf32, #tpu.memory_space<vmem>>
    %dma_start3A_169 = arith.constant 640 : i32
    %dma_start3A_170 = tpu.memref_slice %arg5[%dma_start3A_163, %dma_start3A_169] : memref<2x1024xi32, #tpu.memory_space<vmem>> -> memref<1x128xi32, #tpu.memory_space<vmem>>
    %dma_start3A_171 = tpu.memref_squeeze %dma_start3A_170 : memref<1x128xi32, #tpu.memory_space<vmem>> -> memref<128xi32, #tpu.memory_space<vmem>>
    %dma_start3A_172 = arith.constant 0 : i32
    %dma_start3A_173 = arith.constant 0 : i32
    %dma_start3A_174 = tpu.memref_slice %arg3[%dma_start3A_172, %dma_start3A_173] : memref<1000000x32xf32, #tpu.memory_space<hbm>> -> memref<1000000x32xf32, #tpu.memory_space<hbm>>
    tpu.enqueue_indirect_dma source(%dma_start3A_174 : memref<1000000x32xf32, #tpu.memory_space<hbm>>) target(%dma_start3A_168 : memref<128x32xf32, #tpu.memory_space<vmem>>) offsets(%dma_start3A_171 : memref<128xi32, #tpu.memory_space<vmem>>) semaphore(%arg8 : memref<!tpu.dma_semaphore, #tpu.memory_space<semaphore_mem>>)
    %dma_start3A_175 = arith.constant 1 : i32
    %dma_start3A_176 = arith.constant 1 : i32
    %dma_start3A_177 = arith.constant 768 : i32
    %dma_start3A_178 = arith.constant 0 : i32
    %dma_start3A_179 = tpu.memref_slice %arg6[%dma_start3A_176, %dma_start3A_177, %dma_start3A_178] : memref<2x1024x32xf32, #tpu.memory_space<vmem>> -> memref<1x128x32xf32, #tpu.memory_space<vmem>>
    %dma_start3A_180 = tpu.memref_squeeze %dma_start3A_179 : memref<1x128x32xf32, #tpu.memory_space<vmem>> -> memref<128x32xf32, #tpu.memory_space<vmem>>
    %dma_start3A_181 = arith.constant 768 : i32
    %dma_start3A_182 = tpu.memref_slice %arg5[%dma_start3A_175, %dma_start3A_181] : memref<2x1024xi32, #tpu.memory_space<vmem>> -> memref<1x128xi32, #tpu.memory_space<vmem>>
    %dma_start3A_183 = tpu.memref_squeeze %dma_start3A_182 : memref<1x128xi32, #tpu.memory_space<vmem>> -> memref<128xi32, #tpu.memory_space<vmem>>
    %dma_start3A_184 = arith.constant 0 : i32
    %dma_start3A_185 = arith.constant 0 : i32
    %dma_start3A_186 = tpu.memref_slice %arg3[%dma_start3A_184, %dma_start3A_185] : memref<1000000x32xf32, #tpu.memory_space<hbm>> -> memref<1000000x32xf32, #tpu.memory_space<hbm>>
    tpu.enqueue_indirect_dma source(%dma_start3A_186 : memref<1000000x32xf32, #tpu.memory_space<hbm>>) target(%dma_start3A_180 : memref<128x32xf32, #tpu.memory_space<vmem>>) offsets(%dma_start3A_183 : memref<128xi32, #tpu.memory_space<vmem>>) semaphore(%arg8 : memref<!tpu.dma_semaphore, #tpu.memory_space<semaphore_mem>>)
    %dma_start3A_187 = arith.constant 1 : i32
    %dma_start3A_188 = arith.constant 1 : i32
    %dma_start3A_189 = arith.constant 896 : i32
    %dma_start3A_190 = arith.constant 0 : i32
    %dma_start3A_191 = tpu.memref_slice %arg6[%dma_start3A_188, %dma_start3A_189, %dma_start3A_190] : memref<2x1024x32xf32, #tpu.memory_space<vmem>> -> memref<1x128x32xf32, #tpu.memory_space<vmem>>
    %dma_start3A_192 = tpu.memref_squeeze %dma_start3A_191 : memref<1x128x32xf32, #tpu.memory_space<vmem>> -> memref<128x32xf32, #tpu.memory_space<vmem>>
    %dma_start3A_193 = arith.constant 896 : i32
    %dma_start3A_194 = tpu.memref_slice %arg5[%dma_start3A_187, %dma_start3A_193] : memref<2x1024xi32, #tpu.memory_space<vmem>> -> memref<1x128xi32, #tpu.memory_space<vmem>>
    %dma_start3A_195 = tpu.memref_squeeze %dma_start3A_194 : memref<1x128xi32, #tpu.memory_space<vmem>> -> memref<128xi32, #tpu.memory_space<vmem>>
    %dma_start3A_196 = arith.constant 0 : i32
    %dma_start3A_197 = arith.constant 0 : i32
    %dma_start3A_198 = tpu.memref_slice %arg3[%dma_start3A_196, %dma_start3A_197] : memref<1000000x32xf32, #tpu.memory_space<hbm>> -> memref<1000000x32xf32, #tpu.memory_space<hbm>>
    tpu.enqueue_indirect_dma source(%dma_start3A_198 : memref<1000000x32xf32, #tpu.memory_space<hbm>>) target(%dma_start3A_192 : memref<128x32xf32, #tpu.memory_space<vmem>>) offsets(%dma_start3A_195 : memref<128xi32, #tpu.memory_space<vmem>>) semaphore(%arg8 : memref<!tpu.dma_semaphore, #tpu.memory_space<semaphore_mem>>)
    %scan3A = arith.constant 0 : i32
    %scan3A_199 = arith.constant 0 : i32
    %scan3A_200 = arith.constant 49 : i32
    %scan3A_201 = arith.addi %scan3A_199, %scan3A_200 : i32
    %scan3A_202 = arith.constant 1 : i32
    scf.for %scan3A_455 = %scan3A_199 to %scan3A_201 step %scan3A_202  : i32 {
      %mul3A_456 = arith.constant 2 : i32
      %mul3A_457 = arith.muli %scan3A_455, %mul3A_456 : i32
      %add3A_458 = arith.constant 0 : i32
      %add3A_459 = arith.addi %mul3A_457, %add3A_458 : i32
      %dma_wait3A_460 = arith.constant 0 : i32
      %dma_wait3A_461 = arith.constant 0 : i32
      %dma_wait3A_462 = arith.constant 0 : i32
      %dma_wait3A_463 = arith.constant 0 : i32
      %dma_wait3A_464 = tpu.memref_slice %arg6[%dma_wait3A_461, %dma_wait3A_462, %dma_wait3A_463] : memref<2x1024x32xf32, #tpu.memory_space<vmem>> -> memref<1x128x32xf32, #tpu.memory_space<vmem>>
      %dma_wait3A_465 = tpu.memref_squeeze %dma_wait3A_464 : memref<1x128x32xf32, #tpu.memory_space<vmem>> -> memref<128x32xf32, #tpu.memory_space<vmem>>
      %dma_wait3A_466 = arith.constant 0 : i32
      %dma_wait3A_467 = tpu.memref_slice %arg5[%dma_wait3A_460, %dma_wait3A_466] : memref<2x1024xi32, #tpu.memory_space<vmem>> -> memref<1x128xi32, #tpu.memory_space<vmem>>
      %dma_wait3A_468 = tpu.memref_squeeze %dma_wait3A_467 : memref<1x128xi32, #tpu.memory_space<vmem>> -> memref<128xi32, #tpu.memory_space<vmem>>
      %dma_wait3A_469 = arith.constant 0 : i32
      %dma_wait3A_470 = arith.constant 0 : i32
      %dma_wait3A_471 = tpu.memref_slice %arg3[%dma_wait3A_469, %dma_wait3A_470] : memref<1000000x32xf32, #tpu.memory_space<hbm>> -> memref<1000000x32xf32, #tpu.memory_space<hbm>>
      tpu.wait_indirect_dma semaphore(%arg7 : memref<!tpu.dma_semaphore, #tpu.memory_space<semaphore_mem>>) src(%dma_wait3A_471 : memref<1000000x32xf32, #tpu.memory_space<hbm>>) dst(%dma_wait3A_465 : memref<128x32xf32, #tpu.memory_space<vmem>>)
      %dma_wait3A_472 = arith.constant 0 : i32
      %dma_wait3A_473 = arith.constant 0 : i32
      %dma_wait3A_474 = arith.constant 128 : i32
      %dma_wait3A_475 = arith.constant 0 : i32
      %dma_wait3A_476 = tpu.memref_slice %arg6[%dma_wait3A_473, %dma_wait3A_474, %dma_wait3A_475] : memref<2x1024x32xf32, #tpu.memory_space<vmem>> -> memref<1x128x32xf32, #tpu.memory_space<vmem>>
      %dma_wait3A_477 = tpu.memref_squeeze %dma_wait3A_476 : memref<1x128x32xf32, #tpu.memory_space<vmem>> -> memref<128x32xf32, #tpu.memory_space<vmem>>
      %dma_wait3A_478 = arith.constant 128 : i32
      %dma_wait3A_479 = tpu.memref_slice %arg5[%dma_wait3A_472, %dma_wait3A_478] : memref<2x1024xi32, #tpu.memory_space<vmem>> -> memref<1x128xi32, #tpu.memory_space<vmem>>
      %dma_wait3A_480 = tpu.memref_squeeze %dma_wait3A_479 : memref<1x128xi32, #tpu.memory_space<vmem>> -> memref<128xi32, #tpu.memory_space<vmem>>
      %dma_wait3A_481 = arith.constant 0 : i32
      %dma_wait3A_482 = arith.constant 0 : i32
      %dma_wait3A_483 = tpu.memref_slice %arg3[%dma_wait3A_481, %dma_wait3A_482] : memref<1000000x32xf32, #tpu.memory_space<hbm>> -> memref<1000000x32xf32, #tpu.memory_space<hbm>>
      tpu.wait_indirect_dma semaphore(%arg7 : memref<!tpu.dma_semaphore, #tpu.memory_space<semaphore_mem>>) src(%dma_wait3A_483 : memref<1000000x32xf32, #tpu.memory_space<hbm>>) dst(%dma_wait3A_477 : memref<128x32xf32, #tpu.memory_space<vmem>>)
      %dma_wait3A_484 = arith.constant 0 : i32
      %dma_wait3A_485 = arith.constant 0 : i32
      %dma_wait3A_486 = arith.constant 256 : i32
      %dma_wait3A_487 = arith.constant 0 : i32
      %dma_wait3A_488 = tpu.memref_slice %arg6[%dma_wait3A_485, %dma_wait3A_486, %dma_wait3A_487] : memref<2x1024x32xf32, #tpu.memory_space<vmem>> -> memref<1x128x32xf32, #tpu.memory_space<vmem>>
      %dma_wait3A_489 = tpu.memref_squeeze %dma_wait3A_488 : memref<1x128x32xf32, #tpu.memory_space<vmem>> -> memref<128x32xf32, #tpu.memory_space<vmem>>
      %dma_wait3A_490 = arith.constant 256 : i32
      %dma_wait3A_491 = tpu.memref_slice %arg5[%dma_wait3A_484, %dma_wait3A_490] : memref<2x1024xi32, #tpu.memory_space<vmem>> -> memref<1x128xi32, #tpu.memory_space<vmem>>
      %dma_wait3A_492 = tpu.memref_squeeze %dma_wait3A_491 : memref<1x128xi32, #tpu.memory_space<vmem>> -> memref<128xi32, #tpu.memory_space<vmem>>
      %dma_wait3A_493 = arith.constant 0 : i32
      %dma_wait3A_494 = arith.constant 0 : i32
      %dma_wait3A_495 = tpu.memref_slice %arg3[%dma_wait3A_493, %dma_wait3A_494] : memref<1000000x32xf32, #tpu.memory_space<hbm>> -> memref<1000000x32xf32, #tpu.memory_space<hbm>>
      tpu.wait_indirect_dma semaphore(%arg7 : memref<!tpu.dma_semaphore, #tpu.memory_space<semaphore_mem>>) src(%dma_wait3A_495 : memref<1000000x32xf32, #tpu.memory_space<hbm>>) dst(%dma_wait3A_489 : memref<128x32xf32, #tpu.memory_space<vmem>>)
      %dma_wait3A_496 = arith.constant 0 : i32
      %dma_wait3A_497 = arith.constant 0 : i32
      %dma_wait3A_498 = arith.constant 384 : i32
      %dma_wait3A_499 = arith.constant 0 : i32
      %dma_wait3A_500 = tpu.memref_slice %arg6[%dma_wait3A_497, %dma_wait3A_498, %dma_wait3A_499] : memref<2x1024x32xf32, #tpu.memory_space<vmem>> -> memref<1x128x32xf32, #tpu.memory_space<vmem>>
      %dma_wait3A_501 = tpu.memref_squeeze %dma_wait3A_500 : memref<1x128x32xf32, #tpu.memory_space<vmem>> -> memref<128x32xf32, #tpu.memory_space<vmem>>
      %dma_wait3A_502 = arith.constant 384 : i32
      %dma_wait3A_503 = tpu.memref_slice %arg5[%dma_wait3A_496, %dma_wait3A_502] : memref<2x1024xi32, #tpu.memory_space<vmem>> -> memref<1x128xi32, #tpu.memory_space<vmem>>
      %dma_wait3A_504 = tpu.memref_squeeze %dma_wait3A_503 : memref<1x128xi32, #tpu.memory_space<vmem>> -> memref<128xi32, #tpu.memory_space<vmem>>
      %dma_wait3A_505 = arith.constant 0 : i32
      %dma_wait3A_506 = arith.constant 0 : i32
      %dma_wait3A_507 = tpu.memref_slice %arg3[%dma_wait3A_505, %dma_wait3A_506] : memref<1000000x32xf32, #tpu.memory_space<hbm>> -> memref<1000000x32xf32, #tpu.memory_space<hbm>>
      tpu.wait_indirect_dma semaphore(%arg7 : memref<!tpu.dma_semaphore, #tpu.memory_space<semaphore_mem>>) src(%dma_wait3A_507 : memref<1000000x32xf32, #tpu.memory_space<hbm>>) dst(%dma_wait3A_501 : memref<128x32xf32, #tpu.memory_space<vmem>>)
      %dma_wait3A_508 = arith.constant 0 : i32
      %dma_wait3A_509 = arith.constant 0 : i32
      %dma_wait3A_510 = arith.constant 512 : i32
      %dma_wait3A_511 = arith.constant 0 : i32
      %dma_wait3A_512 = tpu.memref_slice %arg6[%dma_wait3A_509, %dma_wait3A_510, %dma_wait3A_511] : memref<2x1024x32xf32, #tpu.memory_space<vmem>> -> memref<1x128x32xf32, #tpu.memory_space<vmem>>
      %dma_wait3A_513 = tpu.memref_squeeze %dma_wait3A_512 : memref<1x128x32xf32, #tpu.memory_space<vmem>> -> memref<128x32xf32, #tpu.memory_space<vmem>>
      %dma_wait3A_514 = arith.constant 512 : i32
      %dma_wait3A_515 = tpu.memref_slice %arg5[%dma_wait3A_508, %dma_wait3A_514] : memref<2x1024xi32, #tpu.memory_space<vmem>> -> memref<1x128xi32, #tpu.memory_space<vmem>>
      %dma_wait3A_516 = tpu.memref_squeeze %dma_wait3A_515 : memref<1x128xi32, #tpu.memory_space<vmem>> -> memref<128xi32, #tpu.memory_space<vmem>>
      %dma_wait3A_517 = arith.constant 0 : i32
      %dma_wait3A_518 = arith.constant 0 : i32
      %dma_wait3A_519 = tpu.memref_slice %arg3[%dma_wait3A_517, %dma_wait3A_518] : memref<1000000x32xf32, #tpu.memory_space<hbm>> -> memref<1000000x32xf32, #tpu.memory_space<hbm>>
      tpu.wait_indirect_dma semaphore(%arg7 : memref<!tpu.dma_semaphore, #tpu.memory_space<semaphore_mem>>) src(%dma_wait3A_519 : memref<1000000x32xf32, #tpu.memory_space<hbm>>) dst(%dma_wait3A_513 : memref<128x32xf32, #tpu.memory_space<vmem>>)
      %dma_wait3A_520 = arith.constant 0 : i32
      %dma_wait3A_521 = arith.constant 0 : i32
      %dma_wait3A_522 = arith.constant 640 : i32
      %dma_wait3A_523 = arith.constant 0 : i32
      %dma_wait3A_524 = tpu.memref_slice %arg6[%dma_wait3A_521, %dma_wait3A_522, %dma_wait3A_523] : memref<2x1024x32xf32, #tpu.memory_space<vmem>> -> memref<1x128x32xf32, #tpu.memory_space<vmem>>
      %dma_wait3A_525 = tpu.memref_squeeze %dma_wait3A_524 : memref<1x128x32xf32, #tpu.memory_space<vmem>> -> memref<128x32xf32, #tpu.memory_space<vmem>>
      %dma_wait3A_526 = arith.constant 640 : i32
      %dma_wait3A_527 = tpu.memref_slice %arg5[%dma_wait3A_520, %dma_wait3A_526] : memref<2x1024xi32, #tpu.memory_space<vmem>> -> memref<1x128xi32, #tpu.memory_space<vmem>>
      %dma_wait3A_528 = tpu.memref_squeeze %dma_wait3A_527 : memref<1x128xi32, #tpu.memory_space<vmem>> -> memref<128xi32, #tpu.memory_space<vmem>>
      %dma_wait3A_529 = arith.constant 0 : i32
      %dma_wait3A_530 = arith.constant 0 : i32
      %dma_wait3A_531 = tpu.memref_slice %arg3[%dma_wait3A_529, %dma_wait3A_530] : memref<1000000x32xf32, #tpu.memory_space<hbm>> -> memref<1000000x32xf32, #tpu.memory_space<hbm>>
      tpu.wait_indirect_dma semaphore(%arg7 : memref<!tpu.dma_semaphore, #tpu.memory_space<semaphore_mem>>) src(%dma_wait3A_531 : memref<1000000x32xf32, #tpu.memory_space<hbm>>) dst(%dma_wait3A_525 : memref<128x32xf32, #tpu.memory_space<vmem>>)
      %dma_wait3A_532 = arith.constant 0 : i32
      %dma_wait3A_533 = arith.constant 0 : i32
      %dma_wait3A_534 = arith.constant 768 : i32
      %dma_wait3A_535 = arith.constant 0 : i32
      %dma_wait3A_536 = tpu.memref_slice %arg6[%dma_wait3A_533, %dma_wait3A_534, %dma_wait3A_535] : memref<2x1024x32xf32, #tpu.memory_space<vmem>> -> memref<1x128x32xf32, #tpu.memory_space<vmem>>
      %dma_wait3A_537 = tpu.memref_squeeze %dma_wait3A_536 : memref<1x128x32xf32, #tpu.memory_space<vmem>> -> memref<128x32xf32, #tpu.memory_space<vmem>>
      %dma_wait3A_538 = arith.constant 768 : i32
      %dma_wait3A_539 = tpu.memref_slice %arg5[%dma_wait3A_532, %dma_wait3A_538] : memref<2x1024xi32, #tpu.memory_space<vmem>> -> memref<1x128xi32, #tpu.memory_space<vmem>>
      %dma_wait3A_540 = tpu.memref_squeeze %dma_wait3A_539 : memref<1x128xi32, #tpu.memory_space<vmem>> -> memref<128xi32, #tpu.memory_space<vmem>>
      %dma_wait3A_541 = arith.constant 0 : i32
      %dma_wait3A_542 = arith.constant 0 : i32
      %dma_wait3A_543 = tpu.memref_slice %arg3[%dma_wait3A_541, %dma_wait3A_542] : memref<1000000x32xf32, #tpu.memory_space<hbm>> -> memref<1000000x32xf32, #tpu.memory_space<hbm>>
      tpu.wait_indirect_dma semaphore(%arg7 : memref<!tpu.dma_semaphore, #tpu.memory_space<semaphore_mem>>) src(%dma_wait3A_543 : memref<1000000x32xf32, #tpu.memory_space<hbm>>) dst(%dma_wait3A_537 : memref<128x32xf32, #tpu.memory_space<vmem>>)
      %dma_wait3A_544 = arith.constant 0 : i32
      %dma_wait3A_545 = arith.constant 0 : i32
      %dma_wait3A_546 = arith.constant 896 : i32
      %dma_wait3A_547 = arith.constant 0 : i32
      %dma_wait3A_548 = tpu.memref_slice %arg6[%dma_wait3A_545, %dma_wait3A_546, %dma_wait3A_547] : memref<2x1024x32xf32, #tpu.memory_space<vmem>> -> memref<1x128x32xf32, #tpu.memory_space<vmem>>
      %dma_wait3A_549 = tpu.memref_squeeze %dma_wait3A_548 : memref<1x128x32xf32, #tpu.memory_space<vmem>> -> memref<128x32xf32, #tpu.memory_space<vmem>>
      %dma_wait3A_550 = arith.constant 896 : i32
      %dma_wait3A_551 = tpu.memref_slice %arg5[%dma_wait3A_544, %dma_wait3A_550] : memref<2x1024xi32, #tpu.memory_space<vmem>> -> memref<1x128xi32, #tpu.memory_space<vmem>>
      %dma_wait3A_552 = tpu.memref_squeeze %dma_wait3A_551 : memref<1x128xi32, #tpu.memory_space<vmem>> -> memref<128xi32, #tpu.memory_space<vmem>>
      %dma_wait3A_553 = arith.constant 0 : i32
      %dma_wait3A_554 = arith.constant 0 : i32
      %dma_wait3A_555 = tpu.memref_slice %arg3[%dma_wait3A_553, %dma_wait3A_554] : memref<1000000x32xf32, #tpu.memory_space<hbm>> -> memref<1000000x32xf32, #tpu.memory_space<hbm>>
      tpu.wait_indirect_dma semaphore(%arg7 : memref<!tpu.dma_semaphore, #tpu.memory_space<semaphore_mem>>) src(%dma_wait3A_555 : memref<1000000x32xf32, #tpu.memory_space<hbm>>) dst(%dma_wait3A_549 : memref<128x32xf32, #tpu.memory_space<vmem>>)
      %mul3A_556 = arith.constant 1024 : i32
      %mul3A_557 = arith.muli %add3A_459, %mul3A_556 : i32
      %add3A_558 = arith.addi %mul3A_2, %mul3A_557 : i32
      %dma_start3A_559 = arith.constant 0 : i32
      %dma_start3A_560 = arith.constant 0 : i32
      %dma_start3A_561 = arith.constant 0 : i32
      %dma_start3A_562 = tpu.memref_slice %arg6[%dma_start3A_559, %dma_start3A_560, %dma_start3A_561] : memref<2x1024x32xf32, #tpu.memory_space<vmem>> -> memref<1x1024x32xf32, #tpu.memory_space<vmem>>
      %dma_start3A_563 = tpu.memref_squeeze %dma_start3A_562 : memref<1x1024x32xf32, #tpu.memory_space<vmem>> -> memref<1024x32xf32, #tpu.memory_space<vmem>>
      %dma_start3A_564 = arith.constant 0 : i32
      %dma_start3A_565 = tpu.memref_slice %arg4[%add3A_558, %dma_start3A_564] : memref<3276800x32xf32, #tpu.memory_space<hbm>> -> memref<1024x32xf32, #tpu.memory_space<hbm>>
      %dma_start3A_566 = arith.constant 0 : i32
      %dma_start3A_567 = tpu.memref_slice %arg4[%add3A_558, %dma_start3A_566] : memref<3276800x32xf32, #tpu.memory_space<hbm>> -> memref<1024x32xf32, #tpu.memory_space<hbm>>
      %dma_start3A_568 = arith.constant 0 : i32
      %dma_start3A_569 = arith.constant 0 : i32
      %dma_start3A_570 = tpu.memref_slice %arg6[%dma_start3A_559, %dma_start3A_568, %dma_start3A_569] : memref<2x1024x32xf32, #tpu.memory_space<vmem>> -> memref<1x1024x32xf32, #tpu.memory_space<vmem>>
      %dma_start3A_571 = tpu.memref_squeeze %dma_start3A_570 : memref<1x1024x32xf32, #tpu.memory_space<vmem>> -> memref<1024x32xf32, #tpu.memory_space<vmem>>
      tpu.enqueue_dma source(%dma_start3A_571 : memref<1024x32xf32, #tpu.memory_space<vmem>>) target(%dma_start3A_567 : memref<1024x32xf32, #tpu.memory_space<hbm>>) target_semaphore(%arg9 : memref<!tpu.dma_semaphore, #tpu.memory_space<semaphore_mem>>)
      %mul3A_572 = arith.constant 1024 : i32
      %mul3A_573 = arith.muli %add3A_459, %mul3A_572 : i32
      %add3A_574 = arith.addi %mul3A_2, %mul3A_573 : i32
      %dma_wait3A_575 = arith.constant 0 : i32
      %dma_wait3A_576 = arith.constant 0 : i32
      %dma_wait3A_577 = arith.constant 0 : i32
      %dma_wait3A_578 = tpu.memref_slice %arg6[%dma_wait3A_575, %dma_wait3A_576, %dma_wait3A_577] : memref<2x1024x32xf32, #tpu.memory_space<vmem>> -> memref<1x1024x32xf32, #tpu.memory_space<vmem>>
      %dma_wait3A_579 = tpu.memref_squeeze %dma_wait3A_578 : memref<1x1024x32xf32, #tpu.memory_space<vmem>> -> memref<1024x32xf32, #tpu.memory_space<vmem>>
      %dma_wait3A_580 = arith.constant 0 : i32
      %dma_wait3A_581 = tpu.memref_slice %arg4[%add3A_574, %dma_wait3A_580] : memref<3276800x32xf32, #tpu.memory_space<hbm>> -> memref<1024x32xf32, #tpu.memory_space<hbm>>
      %dma_wait3A_582 = arith.constant 0 : i32
      %dma_wait3A_583 = tpu.memref_slice %arg4[%add3A_574, %dma_wait3A_582] : memref<3276800x32xf32, #tpu.memory_space<hbm>> -> memref<1024x32xf32, #tpu.memory_space<hbm>>
      %dma_wait3A_584 = arith.constant 0 : i32
      %dma_wait3A_585 = arith.constant 0 : i32
      %dma_wait3A_586 = tpu.memref_slice %arg6[%dma_wait3A_575, %dma_wait3A_584, %dma_wait3A_585] : memref<2x1024x32xf32, #tpu.memory_space<vmem>> -> memref<1x1024x32xf32, #tpu.memory_space<vmem>>
      %dma_wait3A_587 = tpu.memref_squeeze %dma_wait3A_586 : memref<1x1024x32xf32, #tpu.memory_space<vmem>> -> memref<1024x32xf32, #tpu.memory_space<vmem>>
      tpu.wait_dma2 semaphore(%arg9 : memref<!tpu.dma_semaphore, #tpu.memory_space<semaphore_mem>>) src(%dma_wait3A_587 : memref<1024x32xf32, #tpu.memory_space<vmem>>) dst(%dma_wait3A_583 : memref<1024x32xf32, #tpu.memory_space<hbm>>)
      %add3A_588 = arith.constant 2 : i32
      %add3A_589 = arith.addi %add3A_459, %add3A_588 : i32
      %mul3A_590 = arith.constant 1024 : i32
      %mul3A_591 = arith.muli %add3A_589, %mul3A_590 : i32
      %add3A_592 = arith.addi %mul3A_2, %mul3A_591 : i32
      %run_scoped3A_593 = arith.constant 0 : i32
      "tpu.region"() ({
        %run_scoped3A_922 = tpu.sem_alloc : memref<!tpu.dma_semaphore, #tpu.memory_space<semaphore_mem>>
        %dma_start3A_923 = arith.constant 0 : i32
        %dma_start3A_924 = tpu.memref_slice %arg5[%run_scoped3A_593, %dma_start3A_923] : memref<2x1024xi32, #tpu.memory_space<vmem>> -> memref<1x1024xi32, #tpu.memory_space<vmem>>
        %dma_start3A_925 = tpu.memref_squeeze %dma_start3A_924 : memref<1x1024xi32, #tpu.memory_space<vmem>> -> memref<1024xi32, #tpu.memory_space<vmem>>
        %dma_start3A_926 = tpu.memref_slice %arg2[%add3A_592] : memref<3276800xi32, #tpu.memory_space<hbm>> -> memref<1024xi32, #tpu.memory_space<hbm>>
        %dma_start3A_927 = arith.constant 0 : i32
        %dma_start3A_928 = tpu.memref_slice %arg5[%run_scoped3A_593, %dma_start3A_927] : memref<2x1024xi32, #tpu.memory_space<vmem>> -> memref<1x1024xi32, #tpu.memory_space<vmem>>
        %dma_start3A_929 = tpu.memref_squeeze %dma_start3A_928 : memref<1x1024xi32, #tpu.memory_space<vmem>> -> memref<1024xi32, #tpu.memory_space<vmem>>
        %dma_start3A_930 = tpu.memref_slice %arg2[%add3A_592] : memref<3276800xi32, #tpu.memory_space<hbm>> -> memref<1024xi32, #tpu.memory_space<hbm>>
        tpu.enqueue_dma source(%dma_start3A_930 : memref<1024xi32, #tpu.memory_space<hbm>>) target(%dma_start3A_929 : memref<1024xi32, #tpu.memory_space<vmem>>) target_semaphore(%run_scoped3A_922 : memref<!tpu.dma_semaphore, #tpu.memory_space<semaphore_mem>>)
        %dma_wait3A_931 = arith.constant 0 : i32
        %dma_wait3A_932 = tpu.memref_slice %arg5[%run_scoped3A_593, %dma_wait3A_931] : memref<2x1024xi32, #tpu.memory_space<vmem>> -> memref<1x1024xi32, #tpu.memory_space<vmem>>
        %dma_wait3A_933 = tpu.memref_squeeze %dma_wait3A_932 : memref<1x1024xi32, #tpu.memory_space<vmem>> -> memref<1024xi32, #tpu.memory_space<vmem>>
        %dma_wait3A_934 = tpu.memref_slice %arg2[%add3A_592] : memref<3276800xi32, #tpu.memory_space<hbm>> -> memref<1024xi32, #tpu.memory_space<hbm>>
        %dma_wait3A_935 = arith.constant 0 : i32
        %dma_wait3A_936 = tpu.memref_slice %arg5[%run_scoped3A_593, %dma_wait3A_935] : memref<2x1024xi32, #tpu.memory_space<vmem>> -> memref<1x1024xi32, #tpu.memory_space<vmem>>
        %dma_wait3A_937 = tpu.memref_squeeze %dma_wait3A_936 : memref<1x1024xi32, #tpu.memory_space<vmem>> -> memref<1024xi32, #tpu.memory_space<vmem>>
        %dma_wait3A_938 = tpu.memref_slice %arg2[%add3A_592] : memref<3276800xi32, #tpu.memory_space<hbm>> -> memref<1024xi32, #tpu.memory_space<hbm>>
        tpu.wait_dma2 semaphore(%run_scoped3A_922 : memref<!tpu.dma_semaphore, #tpu.memory_space<semaphore_mem>>) src(%dma_wait3A_938 : memref<1024xi32, #tpu.memory_space<hbm>>) dst(%dma_wait3A_937 : memref<1024xi32, #tpu.memory_space<vmem>>)
        tpu.yield
      }) : () -> ()
      %dma_start3A_594 = arith.constant 0 : i32
      %dma_start3A_595 = arith.constant 0 : i32
      %dma_start3A_596 = arith.constant 0 : i32
      %dma_start3A_597 = arith.constant 0 : i32
      %dma_start3A_598 = tpu.memref_slice %arg6[%dma_start3A_595, %dma_start3A_596, %dma_start3A_597] : memref<2x1024x32xf32, #tpu.memory_space<vmem>> -> memref<1x128x32xf32, #tpu.memory_space<vmem>>
      %dma_start3A_599 = tpu.memref_squeeze %dma_start3A_598 : memref<1x128x32xf32, #tpu.memory_space<vmem>> -> memref<128x32xf32, #tpu.memory_space<vmem>>
      %dma_start3A_600 = arith.constant 0 : i32
      %dma_start3A_601 = tpu.memref_slice %arg5[%dma_start3A_594, %dma_start3A_600] : memref<2x1024xi32, #tpu.memory_space<vmem>> -> memref<1x128xi32, #tpu.memory_space<vmem>>
      %dma_start3A_602 = tpu.memref_squeeze %dma_start3A_601 : memref<1x128xi32, #tpu.memory_space<vmem>> -> memref<128xi32, #tpu.memory_space<vmem>>
      %dma_start3A_603 = arith.constant 0 : i32
      %dma_start3A_604 = arith.constant 0 : i32
      %dma_start3A_605 = tpu.memref_slice %arg3[%dma_start3A_603, %dma_start3A_604] : memref<1000000x32xf32, #tpu.memory_space<hbm>> -> memref<1000000x32xf32, #tpu.memory_space<hbm>>
      tpu.enqueue_indirect_dma source(%dma_start3A_605 : memref<1000000x32xf32, #tpu.memory_space<hbm>>) target(%dma_start3A_599 : memref<128x32xf32, #tpu.memory_space<vmem>>) offsets(%dma_start3A_602 : memref<128xi32, #tpu.memory_space<vmem>>) semaphore(%arg7 : memref<!tpu.dma_semaphore, #tpu.memory_space<semaphore_mem>>)
      %dma_start3A_606 = arith.constant 0 : i32
      %dma_start3A_607 = arith.constant 0 : i32
      %dma_start3A_608 = arith.constant 128 : i32
      %dma_start3A_609 = arith.constant 0 : i32
      %dma_start3A_610 = tpu.memref_slice %arg6[%dma_start3A_607, %dma_start3A_608, %dma_start3A_609] : memref<2x1024x32xf32, #tpu.memory_space<vmem>> -> memref<1x128x32xf32, #tpu.memory_space<vmem>>
      %dma_start3A_611 = tpu.memref_squeeze %dma_start3A_610 : memref<1x128x32xf32, #tpu.memory_space<vmem>> -> memref<128x32xf32, #tpu.memory_space<vmem>>
      %dma_start3A_612 = arith.constant 128 : i32
      %dma_start3A_613 = tpu.memref_slice %arg5[%dma_start3A_606, %dma_start3A_612] : memref<2x1024xi32, #tpu.memory_space<vmem>> -> memref<1x128xi32, #tpu.memory_space<vmem>>
      %dma_start3A_614 = tpu.memref_squeeze %dma_start3A_613 : memref<1x128xi32, #tpu.memory_space<vmem>> -> memref<128xi32, #tpu.memory_space<vmem>>
      %dma_start3A_615 = arith.constant 0 : i32
      %dma_start3A_616 = arith.constant 0 : i32
      %dma_start3A_617 = tpu.memref_slice %arg3[%dma_start3A_615, %dma_start3A_616] : memref<1000000x32xf32, #tpu.memory_space<hbm>> -> memref<1000000x32xf32, #tpu.memory_space<hbm>>
      tpu.enqueue_indirect_dma source(%dma_start3A_617 : memref<1000000x32xf32, #tpu.memory_space<hbm>>) target(%dma_start3A_611 : memref<128x32xf32, #tpu.memory_space<vmem>>) offsets(%dma_start3A_614 : memref<128xi32, #tpu.memory_space<vmem>>) semaphore(%arg7 : memref<!tpu.dma_semaphore, #tpu.memory_space<semaphore_mem>>)
      %dma_start3A_618 = arith.constant 0 : i32
      %dma_start3A_619 = arith.constant 0 : i32
      %dma_start3A_620 = arith.constant 256 : i32
      %dma_start3A_621 = arith.constant 0 : i32
      %dma_start3A_622 = tpu.memref_slice %arg6[%dma_start3A_619, %dma_start3A_620, %dma_start3A_621] : memref<2x1024x32xf32, #tpu.memory_space<vmem>> -> memref<1x128x32xf32, #tpu.memory_space<vmem>>
      %dma_start3A_623 = tpu.memref_squeeze %dma_start3A_622 : memref<1x128x32xf32, #tpu.memory_space<vmem>> -> memref<128x32xf32, #tpu.memory_space<vmem>>
      %dma_start3A_624 = arith.constant 256 : i32
      %dma_start3A_625 = tpu.memref_slice %arg5[%dma_start3A_618, %dma_start3A_624] : memref<2x1024xi32, #tpu.memory_space<vmem>> -> memref<1x128xi32, #tpu.memory_space<vmem>>
      %dma_start3A_626 = tpu.memref_squeeze %dma_start3A_625 : memref<1x128xi32, #tpu.memory_space<vmem>> -> memref<128xi32, #tpu.memory_space<vmem>>
      %dma_start3A_627 = arith.constant 0 : i32
      %dma_start3A_628 = arith.constant 0 : i32
      %dma_start3A_629 = tpu.memref_slice %arg3[%dma_start3A_627, %dma_start3A_628] : memref<1000000x32xf32, #tpu.memory_space<hbm>> -> memref<1000000x32xf32, #tpu.memory_space<hbm>>
      tpu.enqueue_indirect_dma source(%dma_start3A_629 : memref<1000000x32xf32, #tpu.memory_space<hbm>>) target(%dma_start3A_623 : memref<128x32xf32, #tpu.memory_space<vmem>>) offsets(%dma_start3A_626 : memref<128xi32, #tpu.memory_space<vmem>>) semaphore(%arg7 : memref<!tpu.dma_semaphore, #tpu.memory_space<semaphore_mem>>)
      %dma_start3A_630 = arith.constant 0 : i32
      %dma_start3A_631 = arith.constant 0 : i32
      %dma_start3A_632 = arith.constant 384 : i32
      %dma_start3A_633 = arith.constant 0 : i32
      %dma_start3A_634 = tpu.memref_slice %arg6[%dma_start3A_631, %dma_start3A_632, %dma_start3A_633] : memref<2x1024x32xf32, #tpu.memory_space<vmem>> -> memref<1x128x32xf32, #tpu.memory_space<vmem>>
      %dma_start3A_635 = tpu.memref_squeeze %dma_start3A_634 : memref<1x128x32xf32, #tpu.memory_space<vmem>> -> memref<128x32xf32, #tpu.memory_space<vmem>>
      %dma_start3A_636 = arith.constant 384 : i32
      %dma_start3A_637 = tpu.memref_slice %arg5[%dma_start3A_630, %dma_start3A_636] : memref<2x1024xi32, #tpu.memory_space<vmem>> -> memref<1x128xi32, #tpu.memory_space<vmem>>
      %dma_start3A_638 = tpu.memref_squeeze %dma_start3A_637 : memref<1x128xi32, #tpu.memory_space<vmem>> -> memref<128xi32, #tpu.memory_space<vmem>>
      %dma_start3A_639 = arith.constant 0 : i32
      %dma_start3A_640 = arith.constant 0 : i32
      %dma_start3A_641 = tpu.memref_slice %arg3[%dma_start3A_639, %dma_start3A_640] : memref<1000000x32xf32, #tpu.memory_space<hbm>> -> memref<1000000x32xf32, #tpu.memory_space<hbm>>
      tpu.enqueue_indirect_dma source(%dma_start3A_641 : memref<1000000x32xf32, #tpu.memory_space<hbm>>) target(%dma_start3A_635 : memref<128x32xf32, #tpu.memory_space<vmem>>) offsets(%dma_start3A_638 : memref<128xi32, #tpu.memory_space<vmem>>) semaphore(%arg7 : memref<!tpu.dma_semaphore, #tpu.memory_space<semaphore_mem>>)
      %dma_start3A_642 = arith.constant 0 : i32
      %dma_start3A_643 = arith.constant 0 : i32
      %dma_start3A_644 = arith.constant 512 : i32
      %dma_start3A_645 = arith.constant 0 : i32
      %dma_start3A_646 = tpu.memref_slice %arg6[%dma_start3A_643, %dma_start3A_644, %dma_start3A_645] : memref<2x1024x32xf32, #tpu.memory_space<vmem>> -> memref<1x128x32xf32, #tpu.memory_space<vmem>>
      %dma_start3A_647 = tpu.memref_squeeze %dma_start3A_646 : memref<1x128x32xf32, #tpu.memory_space<vmem>> -> memref<128x32xf32, #tpu.memory_space<vmem>>
      %dma_start3A_648 = arith.constant 512 : i32
      %dma_start3A_649 = tpu.memref_slice %arg5[%dma_start3A_642, %dma_start3A_648] : memref<2x1024xi32, #tpu.memory_space<vmem>> -> memref<1x128xi32, #tpu.memory_space<vmem>>
      %dma_start3A_650 = tpu.memref_squeeze %dma_start3A_649 : memref<1x128xi32, #tpu.memory_space<vmem>> -> memref<128xi32, #tpu.memory_space<vmem>>
      %dma_start3A_651 = arith.constant 0 : i32
      %dma_start3A_652 = arith.constant 0 : i32
      %dma_start3A_653 = tpu.memref_slice %arg3[%dma_start3A_651, %dma_start3A_652] : memref<1000000x32xf32, #tpu.memory_space<hbm>> -> memref<1000000x32xf32, #tpu.memory_space<hbm>>
      tpu.enqueue_indirect_dma source(%dma_start3A_653 : memref<1000000x32xf32, #tpu.memory_space<hbm>>) target(%dma_start3A_647 : memref<128x32xf32, #tpu.memory_space<vmem>>) offsets(%dma_start3A_650 : memref<128xi32, #tpu.memory_space<vmem>>) semaphore(%arg7 : memref<!tpu.dma_semaphore, #tpu.memory_space<semaphore_mem>>)
      %dma_start3A_654 = arith.constant 0 : i32
      %dma_start3A_655 = arith.constant 0 : i32
      %dma_start3A_656 = arith.constant 640 : i32
      %dma_start3A_657 = arith.constant 0 : i32
      %dma_start3A_658 = tpu.memref_slice %arg6[%dma_start3A_655, %dma_start3A_656, %dma_start3A_657] : memref<2x1024x32xf32, #tpu.memory_space<vmem>> -> memref<1x128x32xf32, #tpu.memory_space<vmem>>
      %dma_start3A_659 = tpu.memref_squeeze %dma_start3A_658 : memref<1x128x32xf32, #tpu.memory_space<vmem>> -> memref<128x32xf32, #tpu.memory_space<vmem>>
      %dma_start3A_660 = arith.constant 640 : i32
      %dma_start3A_661 = tpu.memref_slice %arg5[%dma_start3A_654, %dma_start3A_660] : memref<2x1024xi32, #tpu.memory_space<vmem>> -> memref<1x128xi32, #tpu.memory_space<vmem>>
      %dma_start3A_662 = tpu.memref_squeeze %dma_start3A_661 : memref<1x128xi32, #tpu.memory_space<vmem>> -> memref<128xi32, #tpu.memory_space<vmem>>
      %dma_start3A_663 = arith.constant 0 : i32
      %dma_start3A_664 = arith.constant 0 : i32
      %dma_start3A_665 = tpu.memref_slice %arg3[%dma_start3A_663, %dma_start3A_664] : memref<1000000x32xf32, #tpu.memory_space<hbm>> -> memref<1000000x32xf32, #tpu.memory_space<hbm>>
      tpu.enqueue_indirect_dma source(%dma_start3A_665 : memref<1000000x32xf32, #tpu.memory_space<hbm>>) target(%dma_start3A_659 : memref<128x32xf32, #tpu.memory_space<vmem>>) offsets(%dma_start3A_662 : memref<128xi32, #tpu.memory_space<vmem>>) semaphore(%arg7 : memref<!tpu.dma_semaphore, #tpu.memory_space<semaphore_mem>>)
      %dma_start3A_666 = arith.constant 0 : i32
      %dma_start3A_667 = arith.constant 0 : i32
      %dma_start3A_668 = arith.constant 768 : i32
      %dma_start3A_669 = arith.constant 0 : i32
      %dma_start3A_670 = tpu.memref_slice %arg6[%dma_start3A_667, %dma_start3A_668, %dma_start3A_669] : memref<2x1024x32xf32, #tpu.memory_space<vmem>> -> memref<1x128x32xf32, #tpu.memory_space<vmem>>
      %dma_start3A_671 = tpu.memref_squeeze %dma_start3A_670 : memref<1x128x32xf32, #tpu.memory_space<vmem>> -> memref<128x32xf32, #tpu.memory_space<vmem>>
      %dma_start3A_672 = arith.constant 768 : i32
      %dma_start3A_673 = tpu.memref_slice %arg5[%dma_start3A_666, %dma_start3A_672] : memref<2x1024xi32, #tpu.memory_space<vmem>> -> memref<1x128xi32, #tpu.memory_space<vmem>>
      %dma_start3A_674 = tpu.memref_squeeze %dma_start3A_673 : memref<1x128xi32, #tpu.memory_space<vmem>> -> memref<128xi32, #tpu.memory_space<vmem>>
      %dma_start3A_675 = arith.constant 0 : i32
      %dma_start3A_676 = arith.constant 0 : i32
      %dma_start3A_677 = tpu.memref_slice %arg3[%dma_start3A_675, %dma_start3A_676] : memref<1000000x32xf32, #tpu.memory_space<hbm>> -> memref<1000000x32xf32, #tpu.memory_space<hbm>>
      tpu.enqueue_indirect_dma source(%dma_start3A_677 : memref<1000000x32xf32, #tpu.memory_space<hbm>>) target(%dma_start3A_671 : memref<128x32xf32, #tpu.memory_space<vmem>>) offsets(%dma_start3A_674 : memref<128xi32, #tpu.memory_space<vmem>>) semaphore(%arg7 : memref<!tpu.dma_semaphore, #tpu.memory_space<semaphore_mem>>)
      %dma_start3A_678 = arith.constant 0 : i32
      %dma_start3A_679 = arith.constant 0 : i32
      %dma_start3A_680 = arith.constant 896 : i32
      %dma_start3A_681 = arith.constant 0 : i32
      %dma_start3A_682 = tpu.memref_slice %arg6[%dma_start3A_679, %dma_start3A_680, %dma_start3A_681] : memref<2x1024x32xf32, #tpu.memory_space<vmem>> -> memref<1x128x32xf32, #tpu.memory_space<vmem>>
      %dma_start3A_683 = tpu.memref_squeeze %dma_start3A_682 : memref<1x128x32xf32, #tpu.memory_space<vmem>> -> memref<128x32xf32, #tpu.memory_space<vmem>>
      %dma_start3A_684 = arith.constant 896 : i32
      %dma_start3A_685 = tpu.memref_slice %arg5[%dma_start3A_678, %dma_start3A_684] : memref<2x1024xi32, #tpu.memory_space<vmem>> -> memref<1x128xi32, #tpu.memory_space<vmem>>
      %dma_start3A_686 = tpu.memref_squeeze %dma_start3A_685 : memref<1x128xi32, #tpu.memory_space<vmem>> -> memref<128xi32, #tpu.memory_space<vmem>>
      %dma_start3A_687 = arith.constant 0 : i32
      %dma_start3A_688 = arith.constant 0 : i32
      %dma_start3A_689 = tpu.memref_slice %arg3[%dma_start3A_687, %dma_start3A_688] : memref<1000000x32xf32, #tpu.memory_space<hbm>> -> memref<1000000x32xf32, #tpu.memory_space<hbm>>
      tpu.enqueue_indirect_dma source(%dma_start3A_689 : memref<1000000x32xf32, #tpu.memory_space<hbm>>) target(%dma_start3A_683 : memref<128x32xf32, #tpu.memory_space<vmem>>) offsets(%dma_start3A_686 : memref<128xi32, #tpu.memory_space<vmem>>) semaphore(%arg7 : memref<!tpu.dma_semaphore, #tpu.memory_space<semaphore_mem>>)
      %add3A_690 = arith.constant 1 : i32
      %add3A_691 = arith.addi %mul3A_457, %add3A_690 : i32
      %dma_wait3A_692 = arith.constant 1 : i32
      %dma_wait3A_693 = arith.constant 1 : i32
      %dma_wait3A_694 = arith.constant 0 : i32
      %dma_wait3A_695 = arith.constant 0 : i32
      %dma_wait3A_696 = tpu.memref_slice %arg6[%dma_wait3A_693, %dma_wait3A_694, %dma_wait3A_695] : memref<2x1024x32xf32, #tpu.memory_space<vmem>> -> memref<1x128x32xf32, #tpu.memory_space<vmem>>
      %dma_wait3A_697 = tpu.memref_squeeze %dma_wait3A_696 : memref<1x128x32xf32, #tpu.memory_space<vmem>> -> memref<128x32xf32, #tpu.memory_space<vmem>>
      %dma_wait3A_698 = arith.constant 0 : i32
      %dma_wait3A_699 = tpu.memref_slice %arg5[%dma_wait3A_692, %dma_wait3A_698] : memref<2x1024xi32, #tpu.memory_space<vmem>> -> memref<1x128xi32, #tpu.memory_space<vmem>>
      %dma_wait3A_700 = tpu.memref_squeeze %dma_wait3A_699 : memref<1x128xi32, #tpu.memory_space<vmem>> -> memref<128xi32, #tpu.memory_space<vmem>>
      %dma_wait3A_701 = arith.constant 0 : i32
      %dma_wait3A_702 = arith.constant 0 : i32
      %dma_wait3A_703 = tpu.memref_slice %arg3[%dma_wait3A_701, %dma_wait3A_702] : memref<1000000x32xf32, #tpu.memory_space<hbm>> -> memref<1000000x32xf32, #tpu.memory_space<hbm>>
      tpu.wait_indirect_dma semaphore(%arg8 : memref<!tpu.dma_semaphore, #tpu.memory_space<semaphore_mem>>) src(%dma_wait3A_703 : memref<1000000x32xf32, #tpu.memory_space<hbm>>) dst(%dma_wait3A_697 : memref<128x32xf32, #tpu.memory_space<vmem>>)
      %dma_wait3A_704 = arith.constant 1 : i32
      %dma_wait3A_705 = arith.constant 1 : i32
      %dma_wait3A_706 = arith.constant 128 : i32
      %dma_wait3A_707 = arith.constant 0 : i32
      %dma_wait3A_708 = tpu.memref_slice %arg6[%dma_wait3A_705, %dma_wait3A_706, %dma_wait3A_707] : memref<2x1024x32xf32, #tpu.memory_space<vmem>> -> memref<1x128x32xf32, #tpu.memory_space<vmem>>
      %dma_wait3A_709 = tpu.memref_squeeze %dma_wait3A_708 : memref<1x128x32xf32, #tpu.memory_space<vmem>> -> memref<128x32xf32, #tpu.memory_space<vmem>>
      %dma_wait3A_710 = arith.constant 128 : i32
      %dma_wait3A_711 = tpu.memref_slice %arg5[%dma_wait3A_704, %dma_wait3A_710] : memref<2x1024xi32, #tpu.memory_space<vmem>> -> memref<1x128xi32, #tpu.memory_space<vmem>>
      %dma_wait3A_712 = tpu.memref_squeeze %dma_wait3A_711 : memref<1x128xi32, #tpu.memory_space<vmem>> -> memref<128xi32, #tpu.memory_space<vmem>>
      %dma_wait3A_713 = arith.constant 0 : i32
      %dma_wait3A_714 = arith.constant 0 : i32
      %dma_wait3A_715 = tpu.memref_slice %arg3[%dma_wait3A_713, %dma_wait3A_714] : memref<1000000x32xf32, #tpu.memory_space<hbm>> -> memref<1000000x32xf32, #tpu.memory_space<hbm>>
      tpu.wait_indirect_dma semaphore(%arg8 : memref<!tpu.dma_semaphore, #tpu.memory_space<semaphore_mem>>) src(%dma_wait3A_715 : memref<1000000x32xf32, #tpu.memory_space<hbm>>) dst(%dma_wait3A_709 : memref<128x32xf32, #tpu.memory_space<vmem>>)
      %dma_wait3A_716 = arith.constant 1 : i32
      %dma_wait3A_717 = arith.constant 1 : i32
      %dma_wait3A_718 = arith.constant 256 : i32
      %dma_wait3A_719 = arith.constant 0 : i32
      %dma_wait3A_720 = tpu.memref_slice %arg6[%dma_wait3A_717, %dma_wait3A_718, %dma_wait3A_719] : memref<2x1024x32xf32, #tpu.memory_space<vmem>> -> memref<1x128x32xf32, #tpu.memory_space<vmem>>
      %dma_wait3A_721 = tpu.memref_squeeze %dma_wait3A_720 : memref<1x128x32xf32, #tpu.memory_space<vmem>> -> memref<128x32xf32, #tpu.memory_space<vmem>>
      %dma_wait3A_722 = arith.constant 256 : i32
      %dma_wait3A_723 = tpu.memref_slice %arg5[%dma_wait3A_716, %dma_wait3A_722] : memref<2x1024xi32, #tpu.memory_space<vmem>> -> memref<1x128xi32, #tpu.memory_space<vmem>>
      %dma_wait3A_724 = tpu.memref_squeeze %dma_wait3A_723 : memref<1x128xi32, #tpu.memory_space<vmem>> -> memref<128xi32, #tpu.memory_space<vmem>>
      %dma_wait3A_725 = arith.constant 0 : i32
      %dma_wait3A_726 = arith.constant 0 : i32
      %dma_wait3A_727 = tpu.memref_slice %arg3[%dma_wait3A_725, %dma_wait3A_726] : memref<1000000x32xf32, #tpu.memory_space<hbm>> -> memref<1000000x32xf32, #tpu.memory_space<hbm>>
      tpu.wait_indirect_dma semaphore(%arg8 : memref<!tpu.dma_semaphore, #tpu.memory_space<semaphore_mem>>) src(%dma_wait3A_727 : memref<1000000x32xf32, #tpu.memory_space<hbm>>) dst(%dma_wait3A_721 : memref<128x32xf32, #tpu.memory_space<vmem>>)
      %dma_wait3A_728 = arith.constant 1 : i32
      %dma_wait3A_729 = arith.constant 1 : i32
      %dma_wait3A_730 = arith.constant 384 : i32
      %dma_wait3A_731 = arith.constant 0 : i32
      %dma_wait3A_732 = tpu.memref_slice %arg6[%dma_wait3A_729, %dma_wait3A_730, %dma_wait3A_731] : memref<2x1024x32xf32, #tpu.memory_space<vmem>> -> memref<1x128x32xf32, #tpu.memory_space<vmem>>
      %dma_wait3A_733 = tpu.memref_squeeze %dma_wait3A_732 : memref<1x128x32xf32, #tpu.memory_space<vmem>> -> memref<128x32xf32, #tpu.memory_space<vmem>>
      %dma_wait3A_734 = arith.constant 384 : i32
      %dma_wait3A_735 = tpu.memref_slice %arg5[%dma_wait3A_728, %dma_wait3A_734] : memref<2x1024xi32, #tpu.memory_space<vmem>> -> memref<1x128xi32, #tpu.memory_space<vmem>>
      %dma_wait3A_736 = tpu.memref_squeeze %dma_wait3A_735 : memref<1x128xi32, #tpu.memory_space<vmem>> -> memref<128xi32, #tpu.memory_space<vmem>>
      %dma_wait3A_737 = arith.constant 0 : i32
      %dma_wait3A_738 = arith.constant 0 : i32
      %dma_wait3A_739 = tpu.memref_slice %arg3[%dma_wait3A_737, %dma_wait3A_738] : memref<1000000x32xf32, #tpu.memory_space<hbm>> -> memref<1000000x32xf32, #tpu.memory_space<hbm>>
      tpu.wait_indirect_dma semaphore(%arg8 : memref<!tpu.dma_semaphore, #tpu.memory_space<semaphore_mem>>) src(%dma_wait3A_739 : memref<1000000x32xf32, #tpu.memory_space<hbm>>) dst(%dma_wait3A_733 : memref<128x32xf32, #tpu.memory_space<vmem>>)
      %dma_wait3A_740 = arith.constant 1 : i32
      %dma_wait3A_741 = arith.constant 1 : i32
      %dma_wait3A_742 = arith.constant 512 : i32
      %dma_wait3A_743 = arith.constant 0 : i32
      %dma_wait3A_744 = tpu.memref_slice %arg6[%dma_wait3A_741, %dma_wait3A_742, %dma_wait3A_743] : memref<2x1024x32xf32, #tpu.memory_space<vmem>> -> memref<1x128x32xf32, #tpu.memory_space<vmem>>
      %dma_wait3A_745 = tpu.memref_squeeze %dma_wait3A_744 : memref<1x128x32xf32, #tpu.memory_space<vmem>> -> memref<128x32xf32, #tpu.memory_space<vmem>>
      %dma_wait3A_746 = arith.constant 512 : i32
      %dma_wait3A_747 = tpu.memref_slice %arg5[%dma_wait3A_740, %dma_wait3A_746] : memref<2x1024xi32, #tpu.memory_space<vmem>> -> memref<1x128xi32, #tpu.memory_space<vmem>>
      %dma_wait3A_748 = tpu.memref_squeeze %dma_wait3A_747 : memref<1x128xi32, #tpu.memory_space<vmem>> -> memref<128xi32, #tpu.memory_space<vmem>>
      %dma_wait3A_749 = arith.constant 0 : i32
      %dma_wait3A_750 = arith.constant 0 : i32
      %dma_wait3A_751 = tpu.memref_slice %arg3[%dma_wait3A_749, %dma_wait3A_750] : memref<1000000x32xf32, #tpu.memory_space<hbm>> -> memref<1000000x32xf32, #tpu.memory_space<hbm>>
      tpu.wait_indirect_dma semaphore(%arg8 : memref<!tpu.dma_semaphore, #tpu.memory_space<semaphore_mem>>) src(%dma_wait3A_751 : memref<1000000x32xf32, #tpu.memory_space<hbm>>) dst(%dma_wait3A_745 : memref<128x32xf32, #tpu.memory_space<vmem>>)
      %dma_wait3A_752 = arith.constant 1 : i32
      %dma_wait3A_753 = arith.constant 1 : i32
      %dma_wait3A_754 = arith.constant 640 : i32
      %dma_wait3A_755 = arith.constant 0 : i32
      %dma_wait3A_756 = tpu.memref_slice %arg6[%dma_wait3A_753, %dma_wait3A_754, %dma_wait3A_755] : memref<2x1024x32xf32, #tpu.memory_space<vmem>> -> memref<1x128x32xf32, #tpu.memory_space<vmem>>
      %dma_wait3A_757 = tpu.memref_squeeze %dma_wait3A_756 : memref<1x128x32xf32, #tpu.memory_space<vmem>> -> memref<128x32xf32, #tpu.memory_space<vmem>>
      %dma_wait3A_758 = arith.constant 640 : i32
      %dma_wait3A_759 = tpu.memref_slice %arg5[%dma_wait3A_752, %dma_wait3A_758] : memref<2x1024xi32, #tpu.memory_space<vmem>> -> memref<1x128xi32, #tpu.memory_space<vmem>>
      %dma_wait3A_760 = tpu.memref_squeeze %dma_wait3A_759 : memref<1x128xi32, #tpu.memory_space<vmem>> -> memref<128xi32, #tpu.memory_space<vmem>>
      %dma_wait3A_761 = arith.constant 0 : i32
      %dma_wait3A_762 = arith.constant 0 : i32
      %dma_wait3A_763 = tpu.memref_slice %arg3[%dma_wait3A_761, %dma_wait3A_762] : memref<1000000x32xf32, #tpu.memory_space<hbm>> -> memref<1000000x32xf32, #tpu.memory_space<hbm>>
      tpu.wait_indirect_dma semaphore(%arg8 : memref<!tpu.dma_semaphore, #tpu.memory_space<semaphore_mem>>) src(%dma_wait3A_763 : memref<1000000x32xf32, #tpu.memory_space<hbm>>) dst(%dma_wait3A_757 : memref<128x32xf32, #tpu.memory_space<vmem>>)
      %dma_wait3A_764 = arith.constant 1 : i32
      %dma_wait3A_765 = arith.constant 1 : i32
      %dma_wait3A_766 = arith.constant 768 : i32
      %dma_wait3A_767 = arith.constant 0 : i32
      %dma_wait3A_768 = tpu.memref_slice %arg6[%dma_wait3A_765, %dma_wait3A_766, %dma_wait3A_767] : memref<2x1024x32xf32, #tpu.memory_space<vmem>> -> memref<1x128x32xf32, #tpu.memory_space<vmem>>
      %dma_wait3A_769 = tpu.memref_squeeze %dma_wait3A_768 : memref<1x128x32xf32, #tpu.memory_space<vmem>> -> memref<128x32xf32, #tpu.memory_space<vmem>>
      %dma_wait3A_770 = arith.constant 768 : i32
      %dma_wait3A_771 = tpu.memref_slice %arg5[%dma_wait3A_764, %dma_wait3A_770] : memref<2x1024xi32, #tpu.memory_space<vmem>> -> memref<1x128xi32, #tpu.memory_space<vmem>>
      %dma_wait3A_772 = tpu.memref_squeeze %dma_wait3A_771 : memref<1x128xi32, #tpu.memory_space<vmem>> -> memref<128xi32, #tpu.memory_space<vmem>>
      %dma_wait3A_773 = arith.constant 0 : i32
      %dma_wait3A_774 = arith.constant 0 : i32
      %dma_wait3A_775 = tpu.memref_slice %arg3[%dma_wait3A_773, %dma_wait3A_774] : memref<1000000x32xf32, #tpu.memory_space<hbm>> -> memref<1000000x32xf32, #tpu.memory_space<hbm>>
      tpu.wait_indirect_dma semaphore(%arg8 : memref<!tpu.dma_semaphore, #tpu.memory_space<semaphore_mem>>) src(%dma_wait3A_775 : memref<1000000x32xf32, #tpu.memory_space<hbm>>) dst(%dma_wait3A_769 : memref<128x32xf32, #tpu.memory_space<vmem>>)
      %dma_wait3A_776 = arith.constant 1 : i32
      %dma_wait3A_777 = arith.constant 1 : i32
      %dma_wait3A_778 = arith.constant 896 : i32
      %dma_wait3A_779 = arith.constant 0 : i32
      %dma_wait3A_780 = tpu.memref_slice %arg6[%dma_wait3A_777, %dma_wait3A_778, %dma_wait3A_779] : memref<2x1024x32xf32, #tpu.memory_space<vmem>> -> memref<1x128x32xf32, #tpu.memory_space<vmem>>
      %dma_wait3A_781 = tpu.memref_squeeze %dma_wait3A_780 : memref<1x128x32xf32, #tpu.memory_space<vmem>> -> memref<128x32xf32, #tpu.memory_space<vmem>>
      %dma_wait3A_782 = arith.constant 896 : i32
      %dma_wait3A_783 = tpu.memref_slice %arg5[%dma_wait3A_776, %dma_wait3A_782] : memref<2x1024xi32, #tpu.memory_space<vmem>> -> memref<1x128xi32, #tpu.memory_space<vmem>>
      %dma_wait3A_784 = tpu.memref_squeeze %dma_wait3A_783 : memref<1x128xi32, #tpu.memory_space<vmem>> -> memref<128xi32, #tpu.memory_space<vmem>>
      %dma_wait3A_785 = arith.constant 0 : i32
      %dma_wait3A_786 = arith.constant 0 : i32
      %dma_wait3A_787 = tpu.memref_slice %arg3[%dma_wait3A_785, %dma_wait3A_786] : memref<1000000x32xf32, #tpu.memory_space<hbm>> -> memref<1000000x32xf32, #tpu.memory_space<hbm>>
      tpu.wait_indirect_dma semaphore(%arg8 : memref<!tpu.dma_semaphore, #tpu.memory_space<semaphore_mem>>) src(%dma_wait3A_787 : memref<1000000x32xf32, #tpu.memory_space<hbm>>) dst(%dma_wait3A_781 : memref<128x32xf32, #tpu.memory_space<vmem>>)
      %mul3A_788 = arith.constant 1024 : i32
      %mul3A_789 = arith.muli %add3A_691, %mul3A_788 : i32
      %add3A_790 = arith.addi %mul3A_2, %mul3A_789 : i32
      %dma_start3A_791 = arith.constant 1 : i32
      %dma_start3A_792 = arith.constant 0 : i32
      %dma_start3A_793 = arith.constant 0 : i32
      %dma_start3A_794 = tpu.memref_slice %arg6[%dma_start3A_791, %dma_start3A_792, %dma_start3A_793] : memref<2x1024x32xf32, #tpu.memory_space<vmem>> -> memref<1x1024x32xf32, #tpu.memory_space<vmem>>
      %dma_start3A_795 = tpu.memref_squeeze %dma_start3A_794 : memref<1x1024x32xf32, #tpu.memory_space<vmem>> -> memref<1024x32xf32, #tpu.memory_space<vmem>>
      %dma_start3A_796 = arith.constant 0 : i32
      %dma_start3A_797 = tpu.memref_slice %arg4[%add3A_790, %dma_start3A_796] : memref<3276800x32xf32, #tpu.memory_space<hbm>> -> memref<1024x32xf32, #tpu.memory_space<hbm>>
      %dma_start3A_798 = arith.constant 0 : i32
      %dma_start3A_799 = tpu.memref_slice %arg4[%add3A_790, %dma_start3A_798] : memref<3276800x32xf32, #tpu.memory_space<hbm>> -> memref<1024x32xf32, #tpu.memory_space<hbm>>
      %dma_start3A_800 = arith.constant 0 : i32
      %dma_start3A_801 = arith.constant 0 : i32
      %dma_start3A_802 = tpu.memref_slice %arg6[%dma_start3A_791, %dma_start3A_800, %dma_start3A_801] : memref<2x1024x32xf32, #tpu.memory_space<vmem>> -> memref<1x1024x32xf32, #tpu.memory_space<vmem>>
      %dma_start3A_803 = tpu.memref_squeeze %dma_start3A_802 : memref<1x1024x32xf32, #tpu.memory_space<vmem>> -> memref<1024x32xf32, #tpu.memory_space<vmem>>
      tpu.enqueue_dma source(%dma_start3A_803 : memref<1024x32xf32, #tpu.memory_space<vmem>>) target(%dma_start3A_799 : memref<1024x32xf32, #tpu.memory_space<hbm>>) target_semaphore(%arg10 : memref<!tpu.dma_semaphore, #tpu.memory_space<semaphore_mem>>)
      %mul3A_804 = arith.constant 1024 : i32
      %mul3A_805 = arith.muli %add3A_691, %mul3A_804 : i32
      %add3A_806 = arith.addi %mul3A_2, %mul3A_805 : i32
      %dma_wait3A_807 = arith.constant 1 : i32
      %dma_wait3A_808 = arith.constant 0 : i32
      %dma_wait3A_809 = arith.constant 0 : i32
      %dma_wait3A_810 = tpu.memref_slice %arg6[%dma_wait3A_807, %dma_wait3A_808, %dma_wait3A_809] : memref<2x1024x32xf32, #tpu.memory_space<vmem>> -> memref<1x1024x32xf32, #tpu.memory_space<vmem>>
      %dma_wait3A_811 = tpu.memref_squeeze %dma_wait3A_810 : memref<1x1024x32xf32, #tpu.memory_space<vmem>> -> memref<1024x32xf32, #tpu.memory_space<vmem>>
      %dma_wait3A_812 = arith.constant 0 : i32
      %dma_wait3A_813 = tpu.memref_slice %arg4[%add3A_806, %dma_wait3A_812] : memref<3276800x32xf32, #tpu.memory_space<hbm>> -> memref<1024x32xf32, #tpu.memory_space<hbm>>
      %dma_wait3A_814 = arith.constant 0 : i32
      %dma_wait3A_815 = tpu.memref_slice %arg4[%add3A_806, %dma_wait3A_814] : memref<3276800x32xf32, #tpu.memory_space<hbm>> -> memref<1024x32xf32, #tpu.memory_space<hbm>>
      %dma_wait3A_816 = arith.constant 0 : i32
      %dma_wait3A_817 = arith.constant 0 : i32
      %dma_wait3A_818 = tpu.memref_slice %arg6[%dma_wait3A_807, %dma_wait3A_816, %dma_wait3A_817] : memref<2x1024x32xf32, #tpu.memory_space<vmem>> -> memref<1x1024x32xf32, #tpu.memory_space<vmem>>
      %dma_wait3A_819 = tpu.memref_squeeze %dma_wait3A_818 : memref<1x1024x32xf32, #tpu.memory_space<vmem>> -> memref<1024x32xf32, #tpu.memory_space<vmem>>
      tpu.wait_dma2 semaphore(%arg10 : memref<!tpu.dma_semaphore, #tpu.memory_space<semaphore_mem>>) src(%dma_wait3A_819 : memref<1024x32xf32, #tpu.memory_space<vmem>>) dst(%dma_wait3A_815 : memref<1024x32xf32, #tpu.memory_space<hbm>>)
      %add3A_820 = arith.constant 2 : i32
      %add3A_821 = arith.addi %add3A_691, %add3A_820 : i32
      %mul3A_822 = arith.constant 1024 : i32
      %mul3A_823 = arith.muli %add3A_821, %mul3A_822 : i32
      %add3A_824 = arith.addi %mul3A_2, %mul3A_823 : i32
      %run_scoped3A_825 = arith.constant 1 : i32
      "tpu.region"() ({
        %run_scoped3A_922 = tpu.sem_alloc : memref<!tpu.dma_semaphore, #tpu.memory_space<semaphore_mem>>
        %dma_start3A_923 = arith.constant 0 : i32
        %dma_start3A_924 = tpu.memref_slice %arg5[%run_scoped3A_825, %dma_start3A_923] : memref<2x1024xi32, #tpu.memory_space<vmem>> -> memref<1x1024xi32, #tpu.memory_space<vmem>>
        %dma_start3A_925 = tpu.memref_squeeze %dma_start3A_924 : memref<1x1024xi32, #tpu.memory_space<vmem>> -> memref<1024xi32, #tpu.memory_space<vmem>>
        %dma_start3A_926 = tpu.memref_slice %arg2[%add3A_824] : memref<3276800xi32, #tpu.memory_space<hbm>> -> memref<1024xi32, #tpu.memory_space<hbm>>
        %dma_start3A_927 = arith.constant 0 : i32
        %dma_start3A_928 = tpu.memref_slice %arg5[%run_scoped3A_825, %dma_start3A_927] : memref<2x1024xi32, #tpu.memory_space<vmem>> -> memref<1x1024xi32, #tpu.memory_space<vmem>>
        %dma_start3A_929 = tpu.memref_squeeze %dma_start3A_928 : memref<1x1024xi32, #tpu.memory_space<vmem>> -> memref<1024xi32, #tpu.memory_space<vmem>>
        %dma_start3A_930 = tpu.memref_slice %arg2[%add3A_824] : memref<3276800xi32, #tpu.memory_space<hbm>> -> memref<1024xi32, #tpu.memory_space<hbm>>
        tpu.enqueue_dma source(%dma_start3A_930 : memref<1024xi32, #tpu.memory_space<hbm>>) target(%dma_start3A_929 : memref<1024xi32, #tpu.memory_space<vmem>>) target_semaphore(%run_scoped3A_922 : memref<!tpu.dma_semaphore, #tpu.memory_space<semaphore_mem>>)
        %dma_wait3A_931 = arith.constant 0 : i32
        %dma_wait3A_932 = tpu.memref_slice %arg5[%run_scoped3A_825, %dma_wait3A_931] : memref<2x1024xi32, #tpu.memory_space<vmem>> -> memref<1x1024xi32, #tpu.memory_space<vmem>>
        %dma_wait3A_933 = tpu.memref_squeeze %dma_wait3A_932 : memref<1x1024xi32, #tpu.memory_space<vmem>> -> memref<1024xi32, #tpu.memory_space<vmem>>
        %dma_wait3A_934 = tpu.memref_slice %arg2[%add3A_824] : memref<3276800xi32, #tpu.memory_space<hbm>> -> memref<1024xi32, #tpu.memory_space<hbm>>
        %dma_wait3A_935 = arith.constant 0 : i32
        %dma_wait3A_936 = tpu.memref_slice %arg5[%run_scoped3A_825, %dma_wait3A_935] : memref<2x1024xi32, #tpu.memory_space<vmem>> -> memref<1x1024xi32, #tpu.memory_space<vmem>>
        %dma_wait3A_937 = tpu.memref_squeeze %dma_wait3A_936 : memref<1x1024xi32, #tpu.memory_space<vmem>> -> memref<1024xi32, #tpu.memory_space<vmem>>
        %dma_wait3A_938 = tpu.memref_slice %arg2[%add3A_824] : memref<3276800xi32, #tpu.memory_space<hbm>> -> memref<1024xi32, #tpu.memory_space<hbm>>
        tpu.wait_dma2 semaphore(%run_scoped3A_922 : memref<!tpu.dma_semaphore, #tpu.memory_space<semaphore_mem>>) src(%dma_wait3A_938 : memref<1024xi32, #tpu.memory_space<hbm>>) dst(%dma_wait3A_937 : memref<1024xi32, #tpu.memory_space<vmem>>)
        tpu.yield
      }) : () -> ()
      %dma_start3A_826 = arith.constant 1 : i32
      %dma_start3A_827 = arith.constant 1 : i32
      %dma_start3A_828 = arith.constant 0 : i32
      %dma_start3A_829 = arith.constant 0 : i32
      %dma_start3A_830 = tpu.memref_slice %arg6[%dma_start3A_827, %dma_start3A_828, %dma_start3A_829] : memref<2x1024x32xf32, #tpu.memory_space<vmem>> -> memref<1x128x32xf32, #tpu.memory_space<vmem>>
      %dma_start3A_831 = tpu.memref_squeeze %dma_start3A_830 : memref<1x128x32xf32, #tpu.memory_space<vmem>> -> memref<128x32xf32, #tpu.memory_space<vmem>>
      %dma_start3A_832 = arith.constant 0 : i32
      %dma_start3A_833 = tpu.memref_slice %arg5[%dma_start3A_826, %dma_start3A_832] : memref<2x1024xi32, #tpu.memory_space<vmem>> -> memref<1x128xi32, #tpu.memory_space<vmem>>
      %dma_start3A_834 = tpu.memref_squeeze %dma_start3A_833 : memref<1x128xi32, #tpu.memory_space<vmem>> -> memref<128xi32, #tpu.memory_space<vmem>>
      %dma_start3A_835 = arith.constant 0 : i32
      %dma_start3A_836 = arith.constant 0 : i32
      %dma_start3A_837 = tpu.memref_slice %arg3[%dma_start3A_835, %dma_start3A_836] : memref<1000000x32xf32, #tpu.memory_space<hbm>> -> memref<1000000x32xf32, #tpu.memory_space<hbm>>
      tpu.enqueue_indirect_dma source(%dma_start3A_837 : memref<1000000x32xf32, #tpu.memory_space<hbm>>) target(%dma_start3A_831 : memref<128x32xf32, #tpu.memory_space<vmem>>) offsets(%dma_start3A_834 : memref<128xi32, #tpu.memory_space<vmem>>) semaphore(%arg8 : memref<!tpu.dma_semaphore, #tpu.memory_space<semaphore_mem>>)
      %dma_start3A_838 = arith.constant 1 : i32
      %dma_start3A_839 = arith.constant 1 : i32
      %dma_start3A_840 = arith.constant 128 : i32
      %dma_start3A_841 = arith.constant 0 : i32
      %dma_start3A_842 = tpu.memref_slice %arg6[%dma_start3A_839, %dma_start3A_840, %dma_start3A_841] : memref<2x1024x32xf32, #tpu.memory_space<vmem>> -> memref<1x128x32xf32, #tpu.memory_space<vmem>>
      %dma_start3A_843 = tpu.memref_squeeze %dma_start3A_842 : memref<1x128x32xf32, #tpu.memory_space<vmem>> -> memref<128x32xf32, #tpu.memory_space<vmem>>
      %dma_start3A_844 = arith.constant 128 : i32
      %dma_start3A_845 = tpu.memref_slice %arg5[%dma_start3A_838, %dma_start3A_844] : memref<2x1024xi32, #tpu.memory_space<vmem>> -> memref<1x128xi32, #tpu.memory_space<vmem>>
      %dma_start3A_846 = tpu.memref_squeeze %dma_start3A_845 : memref<1x128xi32, #tpu.memory_space<vmem>> -> memref<128xi32, #tpu.memory_space<vmem>>
      %dma_start3A_847 = arith.constant 0 : i32
      %dma_start3A_848 = arith.constant 0 : i32
      %dma_start3A_849 = tpu.memref_slice %arg3[%dma_start3A_847, %dma_start3A_848] : memref<1000000x32xf32, #tpu.memory_space<hbm>> -> memref<1000000x32xf32, #tpu.memory_space<hbm>>
      tpu.enqueue_indirect_dma source(%dma_start3A_849 : memref<1000000x32xf32, #tpu.memory_space<hbm>>) target(%dma_start3A_843 : memref<128x32xf32, #tpu.memory_space<vmem>>) offsets(%dma_start3A_846 : memref<128xi32, #tpu.memory_space<vmem>>) semaphore(%arg8 : memref<!tpu.dma_semaphore, #tpu.memory_space<semaphore_mem>>)
      %dma_start3A_850 = arith.constant 1 : i32
      %dma_start3A_851 = arith.constant 1 : i32
      %dma_start3A_852 = arith.constant 256 : i32
      %dma_start3A_853 = arith.constant 0 : i32
      %dma_start3A_854 = tpu.memref_slice %arg6[%dma_start3A_851, %dma_start3A_852, %dma_start3A_853] : memref<2x1024x32xf32, #tpu.memory_space<vmem>> -> memref<1x128x32xf32, #tpu.memory_space<vmem>>
      %dma_start3A_855 = tpu.memref_squeeze %dma_start3A_854 : memref<1x128x32xf32, #tpu.memory_space<vmem>> -> memref<128x32xf32, #tpu.memory_space<vmem>>
      %dma_start3A_856 = arith.constant 256 : i32
      %dma_start3A_857 = tpu.memref_slice %arg5[%dma_start3A_850, %dma_start3A_856] : memref<2x1024xi32, #tpu.memory_space<vmem>> -> memref<1x128xi32, #tpu.memory_space<vmem>>
      %dma_start3A_858 = tpu.memref_squeeze %dma_start3A_857 : memref<1x128xi32, #tpu.memory_space<vmem>> -> memref<128xi32, #tpu.memory_space<vmem>>
      %dma_start3A_859 = arith.constant 0 : i32
      %dma_start3A_860 = arith.constant 0 : i32
      %dma_start3A_861 = tpu.memref_slice %arg3[%dma_start3A_859, %dma_start3A_860] : memref<1000000x32xf32, #tpu.memory_space<hbm>> -> memref<1000000x32xf32, #tpu.memory_space<hbm>>
      tpu.enqueue_indirect_dma source(%dma_start3A_861 : memref<1000000x32xf32, #tpu.memory_space<hbm>>) target(%dma_start3A_855 : memref<128x32xf32, #tpu.memory_space<vmem>>) offsets(%dma_start3A_858 : memref<128xi32, #tpu.memory_space<vmem>>) semaphore(%arg8 : memref<!tpu.dma_semaphore, #tpu.memory_space<semaphore_mem>>)
      %dma_start3A_862 = arith.constant 1 : i32
      %dma_start3A_863 = arith.constant 1 : i32
      %dma_start3A_864 = arith.constant 384 : i32
      %dma_start3A_865 = arith.constant 0 : i32
      %dma_start3A_866 = tpu.memref_slice %arg6[%dma_start3A_863, %dma_start3A_864, %dma_start3A_865] : memref<2x1024x32xf32, #tpu.memory_space<vmem>> -> memref<1x128x32xf32, #tpu.memory_space<vmem>>
      %dma_start3A_867 = tpu.memref_squeeze %dma_start3A_866 : memref<1x128x32xf32, #tpu.memory_space<vmem>> -> memref<128x32xf32, #tpu.memory_space<vmem>>
      %dma_start3A_868 = arith.constant 384 : i32
      %dma_start3A_869 = tpu.memref_slice %arg5[%dma_start3A_862, %dma_start3A_868] : memref<2x1024xi32, #tpu.memory_space<vmem>> -> memref<1x128xi32, #tpu.memory_space<vmem>>
      %dma_start3A_870 = tpu.memref_squeeze %dma_start3A_869 : memref<1x128xi32, #tpu.memory_space<vmem>> -> memref<128xi32, #tpu.memory_space<vmem>>
      %dma_start3A_871 = arith.constant 0 : i32
      %dma_start3A_872 = arith.constant 0 : i32
      %dma_start3A_873 = tpu.memref_slice %arg3[%dma_start3A_871, %dma_start3A_872] : memref<1000000x32xf32, #tpu.memory_space<hbm>> -> memref<1000000x32xf32, #tpu.memory_space<hbm>>
      tpu.enqueue_indirect_dma source(%dma_start3A_873 : memref<1000000x32xf32, #tpu.memory_space<hbm>>) target(%dma_start3A_867 : memref<128x32xf32, #tpu.memory_space<vmem>>) offsets(%dma_start3A_870 : memref<128xi32, #tpu.memory_space<vmem>>) semaphore(%arg8 : memref<!tpu.dma_semaphore, #tpu.memory_space<semaphore_mem>>)
      %dma_start3A_874 = arith.constant 1 : i32
      %dma_start3A_875 = arith.constant 1 : i32
      %dma_start3A_876 = arith.constant 512 : i32
      %dma_start3A_877 = arith.constant 0 : i32
      %dma_start3A_878 = tpu.memref_slice %arg6[%dma_start3A_875, %dma_start3A_876, %dma_start3A_877] : memref<2x1024x32xf32, #tpu.memory_space<vmem>> -> memref<1x128x32xf32, #tpu.memory_space<vmem>>
      %dma_start3A_879 = tpu.memref_squeeze %dma_start3A_878 : memref<1x128x32xf32, #tpu.memory_space<vmem>> -> memref<128x32xf32, #tpu.memory_space<vmem>>
      %dma_start3A_880 = arith.constant 512 : i32
      %dma_start3A_881 = tpu.memref_slice %arg5[%dma_start3A_874, %dma_start3A_880] : memref<2x1024xi32, #tpu.memory_space<vmem>> -> memref<1x128xi32, #tpu.memory_space<vmem>>
      %dma_start3A_882 = tpu.memref_squeeze %dma_start3A_881 : memref<1x128xi32, #tpu.memory_space<vmem>> -> memref<128xi32, #tpu.memory_space<vmem>>
      %dma_start3A_883 = arith.constant 0 : i32
      %dma_start3A_884 = arith.constant 0 : i32
      %dma_start3A_885 = tpu.memref_slice %arg3[%dma_start3A_883, %dma_start3A_884] : memref<1000000x32xf32, #tpu.memory_space<hbm>> -> memref<1000000x32xf32, #tpu.memory_space<hbm>>
      tpu.enqueue_indirect_dma source(%dma_start3A_885 : memref<1000000x32xf32, #tpu.memory_space<hbm>>) target(%dma_start3A_879 : memref<128x32xf32, #tpu.memory_space<vmem>>) offsets(%dma_start3A_882 : memref<128xi32, #tpu.memory_space<vmem>>) semaphore(%arg8 : memref<!tpu.dma_semaphore, #tpu.memory_space<semaphore_mem>>)
      %dma_start3A_886 = arith.constant 1 : i32
      %dma_start3A_887 = arith.constant 1 : i32
      %dma_start3A_888 = arith.constant 640 : i32
      %dma_start3A_889 = arith.constant 0 : i32
      %dma_start3A_890 = tpu.memref_slice %arg6[%dma_start3A_887, %dma_start3A_888, %dma_start3A_889] : memref<2x1024x32xf32, #tpu.memory_space<vmem>> -> memref<1x128x32xf32, #tpu.memory_space<vmem>>
      %dma_start3A_891 = tpu.memref_squeeze %dma_start3A_890 : memref<1x128x32xf32, #tpu.memory_space<vmem>> -> memref<128x32xf32, #tpu.memory_space<vmem>>
      %dma_start3A_892 = arith.constant 640 : i32
      %dma_start3A_893 = tpu.memref_slice %arg5[%dma_start3A_886, %dma_start3A_892] : memref<2x1024xi32, #tpu.memory_space<vmem>> -> memref<1x128xi32, #tpu.memory_space<vmem>>
      %dma_start3A_894 = tpu.memref_squeeze %dma_start3A_893 : memref<1x128xi32, #tpu.memory_space<vmem>> -> memref<128xi32, #tpu.memory_space<vmem>>
      %dma_start3A_895 = arith.constant 0 : i32
      %dma_start3A_896 = arith.constant 0 : i32
      %dma_start3A_897 = tpu.memref_slice %arg3[%dma_start3A_895, %dma_start3A_896] : memref<1000000x32xf32, #tpu.memory_space<hbm>> -> memref<1000000x32xf32, #tpu.memory_space<hbm>>
      tpu.enqueue_indirect_dma source(%dma_start3A_897 : memref<1000000x32xf32, #tpu.memory_space<hbm>>) target(%dma_start3A_891 : memref<128x32xf32, #tpu.memory_space<vmem>>) offsets(%dma_start3A_894 : memref<128xi32, #tpu.memory_space<vmem>>) semaphore(%arg8 : memref<!tpu.dma_semaphore, #tpu.memory_space<semaphore_mem>>)
      %dma_start3A_898 = arith.constant 1 : i32
      %dma_start3A_899 = arith.constant 1 : i32
      %dma_start3A_900 = arith.constant 768 : i32
      %dma_start3A_901 = arith.constant 0 : i32
      %dma_start3A_902 = tpu.memref_slice %arg6[%dma_start3A_899, %dma_start3A_900, %dma_start3A_901] : memref<2x1024x32xf32, #tpu.memory_space<vmem>> -> memref<1x128x32xf32, #tpu.memory_space<vmem>>
      %dma_start3A_903 = tpu.memref_squeeze %dma_start3A_902 : memref<1x128x32xf32, #tpu.memory_space<vmem>> -> memref<128x32xf32, #tpu.memory_space<vmem>>
      %dma_start3A_904 = arith.constant 768 : i32
      %dma_start3A_905 = tpu.memref_slice %arg5[%dma_start3A_898, %dma_start3A_904] : memref<2x1024xi32, #tpu.memory_space<vmem>> -> memref<1x128xi32, #tpu.memory_space<vmem>>
      %dma_start3A_906 = tpu.memref_squeeze %dma_start3A_905 : memref<1x128xi32, #tpu.memory_space<vmem>> -> memref<128xi32, #tpu.memory_space<vmem>>
      %dma_start3A_907 = arith.constant 0 : i32
      %dma_start3A_908 = arith.constant 0 : i32
      %dma_start3A_909 = tpu.memref_slice %arg3[%dma_start3A_907, %dma_start3A_908] : memref<1000000x32xf32, #tpu.memory_space<hbm>> -> memref<1000000x32xf32, #tpu.memory_space<hbm>>
      tpu.enqueue_indirect_dma source(%dma_start3A_909 : memref<1000000x32xf32, #tpu.memory_space<hbm>>) target(%dma_start3A_903 : memref<128x32xf32, #tpu.memory_space<vmem>>) offsets(%dma_start3A_906 : memref<128xi32, #tpu.memory_space<vmem>>) semaphore(%arg8 : memref<!tpu.dma_semaphore, #tpu.memory_space<semaphore_mem>>)
      %dma_start3A_910 = arith.constant 1 : i32
      %dma_start3A_911 = arith.constant 1 : i32
      %dma_start3A_912 = arith.constant 896 : i32
      %dma_start3A_913 = arith.constant 0 : i32
      %dma_start3A_914 = tpu.memref_slice %arg6[%dma_start3A_911, %dma_start3A_912, %dma_start3A_913] : memref<2x1024x32xf32, #tpu.memory_space<vmem>> -> memref<1x128x32xf32, #tpu.memory_space<vmem>>
      %dma_start3A_915 = tpu.memref_squeeze %dma_start3A_914 : memref<1x128x32xf32, #tpu.memory_space<vmem>> -> memref<128x32xf32, #tpu.memory_space<vmem>>
      %dma_start3A_916 = arith.constant 896 : i32
      %dma_start3A_917 = tpu.memref_slice %arg5[%dma_start3A_910, %dma_start3A_916] : memref<2x1024xi32, #tpu.memory_space<vmem>> -> memref<1x128xi32, #tpu.memory_space<vmem>>
      %dma_start3A_918 = tpu.memref_squeeze %dma_start3A_917 : memref<1x128xi32, #tpu.memory_space<vmem>> -> memref<128xi32, #tpu.memory_space<vmem>>
      %dma_start3A_919 = arith.constant 0 : i32
      %dma_start3A_920 = arith.constant 0 : i32
      %dma_start3A_921 = tpu.memref_slice %arg3[%dma_start3A_919, %dma_start3A_920] : memref<1000000x32xf32, #tpu.memory_space<hbm>> -> memref<1000000x32xf32, #tpu.memory_space<hbm>>
      tpu.enqueue_indirect_dma source(%dma_start3A_921 : memref<1000000x32xf32, #tpu.memory_space<hbm>>) target(%dma_start3A_915 : memref<128x32xf32, #tpu.memory_space<vmem>>) offsets(%dma_start3A_918 : memref<128xi32, #tpu.memory_space<vmem>>) semaphore(%arg8 : memref<!tpu.dma_semaphore, #tpu.memory_space<semaphore_mem>>)
    }
    %scan3A_203 = arith.constant 49 : i32
    %dma_wait3A = arith.constant 0 : i32
    %dma_wait3A_204 = arith.constant 0 : i32
    %dma_wait3A_205 = arith.constant 0 : i32
    %dma_wait3A_206 = arith.constant 0 : i32
    %dma_wait3A_207 = tpu.memref_slice %arg6[%dma_wait3A_204, %dma_wait3A_205, %dma_wait3A_206] : memref<2x1024x32xf32, #tpu.memory_space<vmem>> -> memref<1x128x32xf32, #tpu.memory_space<vmem>>
    %dma_wait3A_208 = tpu.memref_squeeze %dma_wait3A_207 : memref<1x128x32xf32, #tpu.memory_space<vmem>> -> memref<128x32xf32, #tpu.memory_space<vmem>>
    %dma_wait3A_209 = arith.constant 0 : i32
    %dma_wait3A_210 = tpu.memref_slice %arg5[%dma_wait3A, %dma_wait3A_209] : memref<2x1024xi32, #tpu.memory_space<vmem>> -> memref<1x128xi32, #tpu.memory_space<vmem>>
    %dma_wait3A_211 = tpu.memref_squeeze %dma_wait3A_210 : memref<1x128xi32, #tpu.memory_space<vmem>> -> memref<128xi32, #tpu.memory_space<vmem>>
    %dma_wait3A_212 = arith.constant 0 : i32
    %dma_wait3A_213 = arith.constant 0 : i32
    %dma_wait3A_214 = tpu.memref_slice %arg3[%dma_wait3A_212, %dma_wait3A_213] : memref<1000000x32xf32, #tpu.memory_space<hbm>> -> memref<1000000x32xf32, #tpu.memory_space<hbm>>
    tpu.wait_indirect_dma semaphore(%arg7 : memref<!tpu.dma_semaphore, #tpu.memory_space<semaphore_mem>>) src(%dma_wait3A_214 : memref<1000000x32xf32, #tpu.memory_space<hbm>>) dst(%dma_wait3A_208 : memref<128x32xf32, #tpu.memory_space<vmem>>)
    %dma_wait3A_215 = arith.constant 0 : i32
    %dma_wait3A_216 = arith.constant 0 : i32
    %dma_wait3A_217 = arith.constant 128 : i32
    %dma_wait3A_218 = arith.constant 0 : i32
    %dma_wait3A_219 = tpu.memref_slice %arg6[%dma_wait3A_216, %dma_wait3A_217, %dma_wait3A_218] : memref<2x1024x32xf32, #tpu.memory_space<vmem>> -> memref<1x128x32xf32, #tpu.memory_space<vmem>>
    %dma_wait3A_220 = tpu.memref_squeeze %dma_wait3A_219 : memref<1x128x32xf32, #tpu.memory_space<vmem>> -> memref<128x32xf32, #tpu.memory_space<vmem>>
    %dma_wait3A_221 = arith.constant 128 : i32
    %dma_wait3A_222 = tpu.memref_slice %arg5[%dma_wait3A_215, %dma_wait3A_221] : memref<2x1024xi32, #tpu.memory_space<vmem>> -> memref<1x128xi32, #tpu.memory_space<vmem>>
    %dma_wait3A_223 = tpu.memref_squeeze %dma_wait3A_222 : memref<1x128xi32, #tpu.memory_space<vmem>> -> memref<128xi32, #tpu.memory_space<vmem>>
    %dma_wait3A_224 = arith.constant 0 : i32
    %dma_wait3A_225 = arith.constant 0 : i32
    %dma_wait3A_226 = tpu.memref_slice %arg3[%dma_wait3A_224, %dma_wait3A_225] : memref<1000000x32xf32, #tpu.memory_space<hbm>> -> memref<1000000x32xf32, #tpu.memory_space<hbm>>
    tpu.wait_indirect_dma semaphore(%arg7 : memref<!tpu.dma_semaphore, #tpu.memory_space<semaphore_mem>>) src(%dma_wait3A_226 : memref<1000000x32xf32, #tpu.memory_space<hbm>>) dst(%dma_wait3A_220 : memref<128x32xf32, #tpu.memory_space<vmem>>)
    %dma_wait3A_227 = arith.constant 0 : i32
    %dma_wait3A_228 = arith.constant 0 : i32
    %dma_wait3A_229 = arith.constant 256 : i32
    %dma_wait3A_230 = arith.constant 0 : i32
    %dma_wait3A_231 = tpu.memref_slice %arg6[%dma_wait3A_228, %dma_wait3A_229, %dma_wait3A_230] : memref<2x1024x32xf32, #tpu.memory_space<vmem>> -> memref<1x128x32xf32, #tpu.memory_space<vmem>>
    %dma_wait3A_232 = tpu.memref_squeeze %dma_wait3A_231 : memref<1x128x32xf32, #tpu.memory_space<vmem>> -> memref<128x32xf32, #tpu.memory_space<vmem>>
    %dma_wait3A_233 = arith.constant 256 : i32
    %dma_wait3A_234 = tpu.memref_slice %arg5[%dma_wait3A_227, %dma_wait3A_233] : memref<2x1024xi32, #tpu.memory_space<vmem>> -> memref<1x128xi32, #tpu.memory_space<vmem>>
    %dma_wait3A_235 = tpu.memref_squeeze %dma_wait3A_234 : memref<1x128xi32, #tpu.memory_space<vmem>> -> memref<128xi32, #tpu.memory_space<vmem>>
    %dma_wait3A_236 = arith.constant 0 : i32
    %dma_wait3A_237 = arith.constant 0 : i32
    %dma_wait3A_238 = tpu.memref_slice %arg3[%dma_wait3A_236, %dma_wait3A_237] : memref<1000000x32xf32, #tpu.memory_space<hbm>> -> memref<1000000x32xf32, #tpu.memory_space<hbm>>
    tpu.wait_indirect_dma semaphore(%arg7 : memref<!tpu.dma_semaphore, #tpu.memory_space<semaphore_mem>>) src(%dma_wait3A_238 : memref<1000000x32xf32, #tpu.memory_space<hbm>>) dst(%dma_wait3A_232 : memref<128x32xf32, #tpu.memory_space<vmem>>)
    %dma_wait3A_239 = arith.constant 0 : i32
    %dma_wait3A_240 = arith.constant 0 : i32
    %dma_wait3A_241 = arith.constant 384 : i32
    %dma_wait3A_242 = arith.constant 0 : i32
    %dma_wait3A_243 = tpu.memref_slice %arg6[%dma_wait3A_240, %dma_wait3A_241, %dma_wait3A_242] : memref<2x1024x32xf32, #tpu.memory_space<vmem>> -> memref<1x128x32xf32, #tpu.memory_space<vmem>>
    %dma_wait3A_244 = tpu.memref_squeeze %dma_wait3A_243 : memref<1x128x32xf32, #tpu.memory_space<vmem>> -> memref<128x32xf32, #tpu.memory_space<vmem>>
    %dma_wait3A_245 = arith.constant 384 : i32
    %dma_wait3A_246 = tpu.memref_slice %arg5[%dma_wait3A_239, %dma_wait3A_245] : memref<2x1024xi32, #tpu.memory_space<vmem>> -> memref<1x128xi32, #tpu.memory_space<vmem>>
    %dma_wait3A_247 = tpu.memref_squeeze %dma_wait3A_246 : memref<1x128xi32, #tpu.memory_space<vmem>> -> memref<128xi32, #tpu.memory_space<vmem>>
    %dma_wait3A_248 = arith.constant 0 : i32
    %dma_wait3A_249 = arith.constant 0 : i32
    %dma_wait3A_250 = tpu.memref_slice %arg3[%dma_wait3A_248, %dma_wait3A_249] : memref<1000000x32xf32, #tpu.memory_space<hbm>> -> memref<1000000x32xf32, #tpu.memory_space<hbm>>
    tpu.wait_indirect_dma semaphore(%arg7 : memref<!tpu.dma_semaphore, #tpu.memory_space<semaphore_mem>>) src(%dma_wait3A_250 : memref<1000000x32xf32, #tpu.memory_space<hbm>>) dst(%dma_wait3A_244 : memref<128x32xf32, #tpu.memory_space<vmem>>)
    %dma_wait3A_251 = arith.constant 0 : i32
    %dma_wait3A_252 = arith.constant 0 : i32
    %dma_wait3A_253 = arith.constant 512 : i32
    %dma_wait3A_254 = arith.constant 0 : i32
    %dma_wait3A_255 = tpu.memref_slice %arg6[%dma_wait3A_252, %dma_wait3A_253, %dma_wait3A_254] : memref<2x1024x32xf32, #tpu.memory_space<vmem>> -> memref<1x128x32xf32, #tpu.memory_space<vmem>>
    %dma_wait3A_256 = tpu.memref_squeeze %dma_wait3A_255 : memref<1x128x32xf32, #tpu.memory_space<vmem>> -> memref<128x32xf32, #tpu.memory_space<vmem>>
    %dma_wait3A_257 = arith.constant 512 : i32
    %dma_wait3A_258 = tpu.memref_slice %arg5[%dma_wait3A_251, %dma_wait3A_257] : memref<2x1024xi32, #tpu.memory_space<vmem>> -> memref<1x128xi32, #tpu.memory_space<vmem>>
    %dma_wait3A_259 = tpu.memref_squeeze %dma_wait3A_258 : memref<1x128xi32, #tpu.memory_space<vmem>> -> memref<128xi32, #tpu.memory_space<vmem>>
    %dma_wait3A_260 = arith.constant 0 : i32
    %dma_wait3A_261 = arith.constant 0 : i32
    %dma_wait3A_262 = tpu.memref_slice %arg3[%dma_wait3A_260, %dma_wait3A_261] : memref<1000000x32xf32, #tpu.memory_space<hbm>> -> memref<1000000x32xf32, #tpu.memory_space<hbm>>
    tpu.wait_indirect_dma semaphore(%arg7 : memref<!tpu.dma_semaphore, #tpu.memory_space<semaphore_mem>>) src(%dma_wait3A_262 : memref<1000000x32xf32, #tpu.memory_space<hbm>>) dst(%dma_wait3A_256 : memref<128x32xf32, #tpu.memory_space<vmem>>)
    %dma_wait3A_263 = arith.constant 0 : i32
    %dma_wait3A_264 = arith.constant 0 : i32
    %dma_wait3A_265 = arith.constant 640 : i32
    %dma_wait3A_266 = arith.constant 0 : i32
    %dma_wait3A_267 = tpu.memref_slice %arg6[%dma_wait3A_264, %dma_wait3A_265, %dma_wait3A_266] : memref<2x1024x32xf32, #tpu.memory_space<vmem>> -> memref<1x128x32xf32, #tpu.memory_space<vmem>>
    %dma_wait3A_268 = tpu.memref_squeeze %dma_wait3A_267 : memref<1x128x32xf32, #tpu.memory_space<vmem>> -> memref<128x32xf32, #tpu.memory_space<vmem>>
    %dma_wait3A_269 = arith.constant 640 : i32
    %dma_wait3A_270 = tpu.memref_slice %arg5[%dma_wait3A_263, %dma_wait3A_269] : memref<2x1024xi32, #tpu.memory_space<vmem>> -> memref<1x128xi32, #tpu.memory_space<vmem>>
    %dma_wait3A_271 = tpu.memref_squeeze %dma_wait3A_270 : memref<1x128xi32, #tpu.memory_space<vmem>> -> memref<128xi32, #tpu.memory_space<vmem>>
    %dma_wait3A_272 = arith.constant 0 : i32
    %dma_wait3A_273 = arith.constant 0 : i32
    %dma_wait3A_274 = tpu.memref_slice %arg3[%dma_wait3A_272, %dma_wait3A_273] : memref<1000000x32xf32, #tpu.memory_space<hbm>> -> memref<1000000x32xf32, #tpu.memory_space<hbm>>
    tpu.wait_indirect_dma semaphore(%arg7 : memref<!tpu.dma_semaphore, #tpu.memory_space<semaphore_mem>>) src(%dma_wait3A_274 : memref<1000000x32xf32, #tpu.memory_space<hbm>>) dst(%dma_wait3A_268 : memref<128x32xf32, #tpu.memory_space<vmem>>)
    %dma_wait3A_275 = arith.constant 0 : i32
    %dma_wait3A_276 = arith.constant 0 : i32
    %dma_wait3A_277 = arith.constant 768 : i32
    %dma_wait3A_278 = arith.constant 0 : i32
    %dma_wait3A_279 = tpu.memref_slice %arg6[%dma_wait3A_276, %dma_wait3A_277, %dma_wait3A_278] : memref<2x1024x32xf32, #tpu.memory_space<vmem>> -> memref<1x128x32xf32, #tpu.memory_space<vmem>>
    %dma_wait3A_280 = tpu.memref_squeeze %dma_wait3A_279 : memref<1x128x32xf32, #tpu.memory_space<vmem>> -> memref<128x32xf32, #tpu.memory_space<vmem>>
    %dma_wait3A_281 = arith.constant 768 : i32
    %dma_wait3A_282 = tpu.memref_slice %arg5[%dma_wait3A_275, %dma_wait3A_281] : memref<2x1024xi32, #tpu.memory_space<vmem>> -> memref<1x128xi32, #tpu.memory_space<vmem>>
    %dma_wait3A_283 = tpu.memref_squeeze %dma_wait3A_282 : memref<1x128xi32, #tpu.memory_space<vmem>> -> memref<128xi32, #tpu.memory_space<vmem>>
    %dma_wait3A_284 = arith.constant 0 : i32
    %dma_wait3A_285 = arith.constant 0 : i32
    %dma_wait3A_286 = tpu.memref_slice %arg3[%dma_wait3A_284, %dma_wait3A_285] : memref<1000000x32xf32, #tpu.memory_space<hbm>> -> memref<1000000x32xf32, #tpu.memory_space<hbm>>
    tpu.wait_indirect_dma semaphore(%arg7 : memref<!tpu.dma_semaphore, #tpu.memory_space<semaphore_mem>>) src(%dma_wait3A_286 : memref<1000000x32xf32, #tpu.memory_space<hbm>>) dst(%dma_wait3A_280 : memref<128x32xf32, #tpu.memory_space<vmem>>)
    %dma_wait3A_287 = arith.constant 0 : i32
    %dma_wait3A_288 = arith.constant 0 : i32
    %dma_wait3A_289 = arith.constant 896 : i32
    %dma_wait3A_290 = arith.constant 0 : i32
    %dma_wait3A_291 = tpu.memref_slice %arg6[%dma_wait3A_288, %dma_wait3A_289, %dma_wait3A_290] : memref<2x1024x32xf32, #tpu.memory_space<vmem>> -> memref<1x128x32xf32, #tpu.memory_space<vmem>>
    %dma_wait3A_292 = tpu.memref_squeeze %dma_wait3A_291 : memref<1x128x32xf32, #tpu.memory_space<vmem>> -> memref<128x32xf32, #tpu.memory_space<vmem>>
    %dma_wait3A_293 = arith.constant 896 : i32
    %dma_wait3A_294 = tpu.memref_slice %arg5[%dma_wait3A_287, %dma_wait3A_293] : memref<2x1024xi32, #tpu.memory_space<vmem>> -> memref<1x128xi32, #tpu.memory_space<vmem>>
    %dma_wait3A_295 = tpu.memref_squeeze %dma_wait3A_294 : memref<1x128xi32, #tpu.memory_space<vmem>> -> memref<128xi32, #tpu.memory_space<vmem>>
    %dma_wait3A_296 = arith.constant 0 : i32
    %dma_wait3A_297 = arith.constant 0 : i32
    %dma_wait3A_298 = tpu.memref_slice %arg3[%dma_wait3A_296, %dma_wait3A_297] : memref<1000000x32xf32, #tpu.memory_space<hbm>> -> memref<1000000x32xf32, #tpu.memory_space<hbm>>
    tpu.wait_indirect_dma semaphore(%arg7 : memref<!tpu.dma_semaphore, #tpu.memory_space<semaphore_mem>>) src(%dma_wait3A_298 : memref<1000000x32xf32, #tpu.memory_space<hbm>>) dst(%dma_wait3A_292 : memref<128x32xf32, #tpu.memory_space<vmem>>)
    %add3A_299 = arith.constant 100352 : i32
    %add3A_300 = arith.addi %mul3A_2, %add3A_299 : i32
    %dma_start3A_301 = arith.constant 0 : i32
    %dma_start3A_302 = arith.constant 0 : i32
    %dma_start3A_303 = arith.constant 0 : i32
    %dma_start3A_304 = tpu.memref_slice %arg6[%dma_start3A_301, %dma_start3A_302, %dma_start3A_303] : memref<2x1024x32xf32, #tpu.memory_space<vmem>> -> memref<1x1024x32xf32, #tpu.memory_space<vmem>>
    %dma_start3A_305 = tpu.memref_squeeze %dma_start3A_304 : memref<1x1024x32xf32, #tpu.memory_space<vmem>> -> memref<1024x32xf32, #tpu.memory_space<vmem>>
    %dma_start3A_306 = arith.constant 0 : i32
    %dma_start3A_307 = tpu.memref_slice %arg4[%add3A_300, %dma_start3A_306] : memref<3276800x32xf32, #tpu.memory_space<hbm>> -> memref<1024x32xf32, #tpu.memory_space<hbm>>
    %dma_start3A_308 = arith.constant 0 : i32
    %dma_start3A_309 = tpu.memref_slice %arg4[%add3A_300, %dma_start3A_308] : memref<3276800x32xf32, #tpu.memory_space<hbm>> -> memref<1024x32xf32, #tpu.memory_space<hbm>>
    %dma_start3A_310 = arith.constant 0 : i32
    %dma_start3A_311 = arith.constant 0 : i32
    %dma_start3A_312 = tpu.memref_slice %arg6[%dma_start3A_301, %dma_start3A_310, %dma_start3A_311] : memref<2x1024x32xf32, #tpu.memory_space<vmem>> -> memref<1x1024x32xf32, #tpu.memory_space<vmem>>
    %dma_start3A_313 = tpu.memref_squeeze %dma_start3A_312 : memref<1x1024x32xf32, #tpu.memory_space<vmem>> -> memref<1024x32xf32, #tpu.memory_space<vmem>>
    tpu.enqueue_dma source(%dma_start3A_313 : memref<1024x32xf32, #tpu.memory_space<vmem>>) target(%dma_start3A_309 : memref<1024x32xf32, #tpu.memory_space<hbm>>) target_semaphore(%arg9 : memref<!tpu.dma_semaphore, #tpu.memory_space<semaphore_mem>>)
    %dma_wait3A_314 = arith.constant 1 : i32
    %dma_wait3A_315 = arith.constant 1 : i32
    %dma_wait3A_316 = arith.constant 0 : i32
    %dma_wait3A_317 = arith.constant 0 : i32
    %dma_wait3A_318 = tpu.memref_slice %arg6[%dma_wait3A_315, %dma_wait3A_316, %dma_wait3A_317] : memref<2x1024x32xf32, #tpu.memory_space<vmem>> -> memref<1x128x32xf32, #tpu.memory_space<vmem>>
    %dma_wait3A_319 = tpu.memref_squeeze %dma_wait3A_318 : memref<1x128x32xf32, #tpu.memory_space<vmem>> -> memref<128x32xf32, #tpu.memory_space<vmem>>
    %dma_wait3A_320 = arith.constant 0 : i32
    %dma_wait3A_321 = tpu.memref_slice %arg5[%dma_wait3A_314, %dma_wait3A_320] : memref<2x1024xi32, #tpu.memory_space<vmem>> -> memref<1x128xi32, #tpu.memory_space<vmem>>
    %dma_wait3A_322 = tpu.memref_squeeze %dma_wait3A_321 : memref<1x128xi32, #tpu.memory_space<vmem>> -> memref<128xi32, #tpu.memory_space<vmem>>
    %dma_wait3A_323 = arith.constant 0 : i32
    %dma_wait3A_324 = arith.constant 0 : i32
    %dma_wait3A_325 = tpu.memref_slice %arg3[%dma_wait3A_323, %dma_wait3A_324] : memref<1000000x32xf32, #tpu.memory_space<hbm>> -> memref<1000000x32xf32, #tpu.memory_space<hbm>>
    tpu.wait_indirect_dma semaphore(%arg8 : memref<!tpu.dma_semaphore, #tpu.memory_space<semaphore_mem>>) src(%dma_wait3A_325 : memref<1000000x32xf32, #tpu.memory_space<hbm>>) dst(%dma_wait3A_319 : memref<128x32xf32, #tpu.memory_space<vmem>>)
    %dma_wait3A_326 = arith.constant 1 : i32
    %dma_wait3A_327 = arith.constant 1 : i32
    %dma_wait3A_328 = arith.constant 128 : i32
    %dma_wait3A_329 = arith.constant 0 : i32
    %dma_wait3A_330 = tpu.memref_slice %arg6[%dma_wait3A_327, %dma_wait3A_328, %dma_wait3A_329] : memref<2x1024x32xf32, #tpu.memory_space<vmem>> -> memref<1x128x32xf32, #tpu.memory_space<vmem>>
    %dma_wait3A_331 = tpu.memref_squeeze %dma_wait3A_330 : memref<1x128x32xf32, #tpu.memory_space<vmem>> -> memref<128x32xf32, #tpu.memory_space<vmem>>
    %dma_wait3A_332 = arith.constant 128 : i32
    %dma_wait3A_333 = tpu.memref_slice %arg5[%dma_wait3A_326, %dma_wait3A_332] : memref<2x1024xi32, #tpu.memory_space<vmem>> -> memref<1x128xi32, #tpu.memory_space<vmem>>
    %dma_wait3A_334 = tpu.memref_squeeze %dma_wait3A_333 : memref<1x128xi32, #tpu.memory_space<vmem>> -> memref<128xi32, #tpu.memory_space<vmem>>
    %dma_wait3A_335 = arith.constant 0 : i32
    %dma_wait3A_336 = arith.constant 0 : i32
    %dma_wait3A_337 = tpu.memref_slice %arg3[%dma_wait3A_335, %dma_wait3A_336] : memref<1000000x32xf32, #tpu.memory_space<hbm>> -> memref<1000000x32xf32, #tpu.memory_space<hbm>>
    tpu.wait_indirect_dma semaphore(%arg8 : memref<!tpu.dma_semaphore, #tpu.memory_space<semaphore_mem>>) src(%dma_wait3A_337 : memref<1000000x32xf32, #tpu.memory_space<hbm>>) dst(%dma_wait3A_331 : memref<128x32xf32, #tpu.memory_space<vmem>>)
    %dma_wait3A_338 = arith.constant 1 : i32
    %dma_wait3A_339 = arith.constant 1 : i32
    %dma_wait3A_340 = arith.constant 256 : i32
    %dma_wait3A_341 = arith.constant 0 : i32
    %dma_wait3A_342 = tpu.memref_slice %arg6[%dma_wait3A_339, %dma_wait3A_340, %dma_wait3A_341] : memref<2x1024x32xf32, #tpu.memory_space<vmem>> -> memref<1x128x32xf32, #tpu.memory_space<vmem>>
    %dma_wait3A_343 = tpu.memref_squeeze %dma_wait3A_342 : memref<1x128x32xf32, #tpu.memory_space<vmem>> -> memref<128x32xf32, #tpu.memory_space<vmem>>
    %dma_wait3A_344 = arith.constant 256 : i32
    %dma_wait3A_345 = tpu.memref_slice %arg5[%dma_wait3A_338, %dma_wait3A_344] : memref<2x1024xi32, #tpu.memory_space<vmem>> -> memref<1x128xi32, #tpu.memory_space<vmem>>
    %dma_wait3A_346 = tpu.memref_squeeze %dma_wait3A_345 : memref<1x128xi32, #tpu.memory_space<vmem>> -> memref<128xi32, #tpu.memory_space<vmem>>
    %dma_wait3A_347 = arith.constant 0 : i32
    %dma_wait3A_348 = arith.constant 0 : i32
    %dma_wait3A_349 = tpu.memref_slice %arg3[%dma_wait3A_347, %dma_wait3A_348] : memref<1000000x32xf32, #tpu.memory_space<hbm>> -> memref<1000000x32xf32, #tpu.memory_space<hbm>>
    tpu.wait_indirect_dma semaphore(%arg8 : memref<!tpu.dma_semaphore, #tpu.memory_space<semaphore_mem>>) src(%dma_wait3A_349 : memref<1000000x32xf32, #tpu.memory_space<hbm>>) dst(%dma_wait3A_343 : memref<128x32xf32, #tpu.memory_space<vmem>>)
    %dma_wait3A_350 = arith.constant 1 : i32
    %dma_wait3A_351 = arith.constant 1 : i32
    %dma_wait3A_352 = arith.constant 384 : i32
    %dma_wait3A_353 = arith.constant 0 : i32
    %dma_wait3A_354 = tpu.memref_slice %arg6[%dma_wait3A_351, %dma_wait3A_352, %dma_wait3A_353] : memref<2x1024x32xf32, #tpu.memory_space<vmem>> -> memref<1x128x32xf32, #tpu.memory_space<vmem>>
    %dma_wait3A_355 = tpu.memref_squeeze %dma_wait3A_354 : memref<1x128x32xf32, #tpu.memory_space<vmem>> -> memref<128x32xf32, #tpu.memory_space<vmem>>
    %dma_wait3A_356 = arith.constant 384 : i32
    %dma_wait3A_357 = tpu.memref_slice %arg5[%dma_wait3A_350, %dma_wait3A_356] : memref<2x1024xi32, #tpu.memory_space<vmem>> -> memref<1x128xi32, #tpu.memory_space<vmem>>
    %dma_wait3A_358 = tpu.memref_squeeze %dma_wait3A_357 : memref<1x128xi32, #tpu.memory_space<vmem>> -> memref<128xi32, #tpu.memory_space<vmem>>
    %dma_wait3A_359 = arith.constant 0 : i32
    %dma_wait3A_360 = arith.constant 0 : i32
    %dma_wait3A_361 = tpu.memref_slice %arg3[%dma_wait3A_359, %dma_wait3A_360] : memref<1000000x32xf32, #tpu.memory_space<hbm>> -> memref<1000000x32xf32, #tpu.memory_space<hbm>>
    tpu.wait_indirect_dma semaphore(%arg8 : memref<!tpu.dma_semaphore, #tpu.memory_space<semaphore_mem>>) src(%dma_wait3A_361 : memref<1000000x32xf32, #tpu.memory_space<hbm>>) dst(%dma_wait3A_355 : memref<128x32xf32, #tpu.memory_space<vmem>>)
    %dma_wait3A_362 = arith.constant 1 : i32
    %dma_wait3A_363 = arith.constant 1 : i32
    %dma_wait3A_364 = arith.constant 512 : i32
    %dma_wait3A_365 = arith.constant 0 : i32
    %dma_wait3A_366 = tpu.memref_slice %arg6[%dma_wait3A_363, %dma_wait3A_364, %dma_wait3A_365] : memref<2x1024x32xf32, #tpu.memory_space<vmem>> -> memref<1x128x32xf32, #tpu.memory_space<vmem>>
    %dma_wait3A_367 = tpu.memref_squeeze %dma_wait3A_366 : memref<1x128x32xf32, #tpu.memory_space<vmem>> -> memref<128x32xf32, #tpu.memory_space<vmem>>
    %dma_wait3A_368 = arith.constant 512 : i32
    %dma_wait3A_369 = tpu.memref_slice %arg5[%dma_wait3A_362, %dma_wait3A_368] : memref<2x1024xi32, #tpu.memory_space<vmem>> -> memref<1x128xi32, #tpu.memory_space<vmem>>
    %dma_wait3A_370 = tpu.memref_squeeze %dma_wait3A_369 : memref<1x128xi32, #tpu.memory_space<vmem>> -> memref<128xi32, #tpu.memory_space<vmem>>
    %dma_wait3A_371 = arith.constant 0 : i32
    %dma_wait3A_372 = arith.constant 0 : i32
    %dma_wait3A_373 = tpu.memref_slice %arg3[%dma_wait3A_371, %dma_wait3A_372] : memref<1000000x32xf32, #tpu.memory_space<hbm>> -> memref<1000000x32xf32, #tpu.memory_space<hbm>>
    tpu.wait_indirect_dma semaphore(%arg8 : memref<!tpu.dma_semaphore, #tpu.memory_space<semaphore_mem>>) src(%dma_wait3A_373 : memref<1000000x32xf32, #tpu.memory_space<hbm>>) dst(%dma_wait3A_367 : memref<128x32xf32, #tpu.memory_space<vmem>>)
    %dma_wait3A_374 = arith.constant 1 : i32
    %dma_wait3A_375 = arith.constant 1 : i32
    %dma_wait3A_376 = arith.constant 640 : i32
    %dma_wait3A_377 = arith.constant 0 : i32
    %dma_wait3A_378 = tpu.memref_slice %arg6[%dma_wait3A_375, %dma_wait3A_376, %dma_wait3A_377] : memref<2x1024x32xf32, #tpu.memory_space<vmem>> -> memref<1x128x32xf32, #tpu.memory_space<vmem>>
    %dma_wait3A_379 = tpu.memref_squeeze %dma_wait3A_378 : memref<1x128x32xf32, #tpu.memory_space<vmem>> -> memref<128x32xf32, #tpu.memory_space<vmem>>
    %dma_wait3A_380 = arith.constant 640 : i32
    %dma_wait3A_381 = tpu.memref_slice %arg5[%dma_wait3A_374, %dma_wait3A_380] : memref<2x1024xi32, #tpu.memory_space<vmem>> -> memref<1x128xi32, #tpu.memory_space<vmem>>
    %dma_wait3A_382 = tpu.memref_squeeze %dma_wait3A_381 : memref<1x128xi32, #tpu.memory_space<vmem>> -> memref<128xi32, #tpu.memory_space<vmem>>
    %dma_wait3A_383 = arith.constant 0 : i32
    %dma_wait3A_384 = arith.constant 0 : i32
    %dma_wait3A_385 = tpu.memref_slice %arg3[%dma_wait3A_383, %dma_wait3A_384] : memref<1000000x32xf32, #tpu.memory_space<hbm>> -> memref<1000000x32xf32, #tpu.memory_space<hbm>>
    tpu.wait_indirect_dma semaphore(%arg8 : memref<!tpu.dma_semaphore, #tpu.memory_space<semaphore_mem>>) src(%dma_wait3A_385 : memref<1000000x32xf32, #tpu.memory_space<hbm>>) dst(%dma_wait3A_379 : memref<128x32xf32, #tpu.memory_space<vmem>>)
    %dma_wait3A_386 = arith.constant 1 : i32
    %dma_wait3A_387 = arith.constant 1 : i32
    %dma_wait3A_388 = arith.constant 768 : i32
    %dma_wait3A_389 = arith.constant 0 : i32
    %dma_wait3A_390 = tpu.memref_slice %arg6[%dma_wait3A_387, %dma_wait3A_388, %dma_wait3A_389] : memref<2x1024x32xf32, #tpu.memory_space<vmem>> -> memref<1x128x32xf32, #tpu.memory_space<vmem>>
    %dma_wait3A_391 = tpu.memref_squeeze %dma_wait3A_390 : memref<1x128x32xf32, #tpu.memory_space<vmem>> -> memref<128x32xf32, #tpu.memory_space<vmem>>
    %dma_wait3A_392 = arith.constant 768 : i32
    %dma_wait3A_393 = tpu.memref_slice %arg5[%dma_wait3A_386, %dma_wait3A_392] : memref<2x1024xi32, #tpu.memory_space<vmem>> -> memref<1x128xi32, #tpu.memory_space<vmem>>
    %dma_wait3A_394 = tpu.memref_squeeze %dma_wait3A_393 : memref<1x128xi32, #tpu.memory_space<vmem>> -> memref<128xi32, #tpu.memory_space<vmem>>
    %dma_wait3A_395 = arith.constant 0 : i32
    %dma_wait3A_396 = arith.constant 0 : i32
    %dma_wait3A_397 = tpu.memref_slice %arg3[%dma_wait3A_395, %dma_wait3A_396] : memref<1000000x32xf32, #tpu.memory_space<hbm>> -> memref<1000000x32xf32, #tpu.memory_space<hbm>>
    tpu.wait_indirect_dma semaphore(%arg8 : memref<!tpu.dma_semaphore, #tpu.memory_space<semaphore_mem>>) src(%dma_wait3A_397 : memref<1000000x32xf32, #tpu.memory_space<hbm>>) dst(%dma_wait3A_391 : memref<128x32xf32, #tpu.memory_space<vmem>>)
    %dma_wait3A_398 = arith.constant 1 : i32
    %dma_wait3A_399 = arith.constant 1 : i32
    %dma_wait3A_400 = arith.constant 896 : i32
    %dma_wait3A_401 = arith.constant 0 : i32
    %dma_wait3A_402 = tpu.memref_slice %arg6[%dma_wait3A_399, %dma_wait3A_400, %dma_wait3A_401] : memref<2x1024x32xf32, #tpu.memory_space<vmem>> -> memref<1x128x32xf32, #tpu.memory_space<vmem>>
    %dma_wait3A_403 = tpu.memref_squeeze %dma_wait3A_402 : memref<1x128x32xf32, #tpu.memory_space<vmem>> -> memref<128x32xf32, #tpu.memory_space<vmem>>
    %dma_wait3A_404 = arith.constant 896 : i32
    %dma_wait3A_405 = tpu.memref_slice %arg5[%dma_wait3A_398, %dma_wait3A_404] : memref<2x1024xi32, #tpu.memory_space<vmem>> -> memref<1x128xi32, #tpu.memory_space<vmem>>
    %dma_wait3A_406 = tpu.memref_squeeze %dma_wait3A_405 : memref<1x128xi32, #tpu.memory_space<vmem>> -> memref<128xi32, #tpu.memory_space<vmem>>
    %dma_wait3A_407 = arith.constant 0 : i32
    %dma_wait3A_408 = arith.constant 0 : i32
    %dma_wait3A_409 = tpu.memref_slice %arg3[%dma_wait3A_407, %dma_wait3A_408] : memref<1000000x32xf32, #tpu.memory_space<hbm>> -> memref<1000000x32xf32, #tpu.memory_space<hbm>>
    tpu.wait_indirect_dma semaphore(%arg8 : memref<!tpu.dma_semaphore, #tpu.memory_space<semaphore_mem>>) src(%dma_wait3A_409 : memref<1000000x32xf32, #tpu.memory_space<hbm>>) dst(%dma_wait3A_403 : memref<128x32xf32, #tpu.memory_space<vmem>>)
    %add3A_410 = arith.constant 101376 : i32
    %add3A_411 = arith.addi %mul3A_2, %add3A_410 : i32
    %dma_start3A_412 = arith.constant 1 : i32
    %dma_start3A_413 = arith.constant 0 : i32
    %dma_start3A_414 = arith.constant 0 : i32
    %dma_start3A_415 = tpu.memref_slice %arg6[%dma_start3A_412, %dma_start3A_413, %dma_start3A_414] : memref<2x1024x32xf32, #tpu.memory_space<vmem>> -> memref<1x1024x32xf32, #tpu.memory_space<vmem>>
    %dma_start3A_416 = tpu.memref_squeeze %dma_start3A_415 : memref<1x1024x32xf32, #tpu.memory_space<vmem>> -> memref<1024x32xf32, #tpu.memory_space<vmem>>
    %dma_start3A_417 = arith.constant 0 : i32
    %dma_start3A_418 = tpu.memref_slice %arg4[%add3A_411, %dma_start3A_417] : memref<3276800x32xf32, #tpu.memory_space<hbm>> -> memref<1024x32xf32, #tpu.memory_space<hbm>>
    %dma_start3A_419 = arith.constant 0 : i32
    %dma_start3A_420 = tpu.memref_slice %arg4[%add3A_411, %dma_start3A_419] : memref<3276800x32xf32, #tpu.memory_space<hbm>> -> memref<1024x32xf32, #tpu.memory_space<hbm>>
    %dma_start3A_421 = arith.constant 0 : i32
    %dma_start3A_422 = arith.constant 0 : i32
    %dma_start3A_423 = tpu.memref_slice %arg6[%dma_start3A_412, %dma_start3A_421, %dma_start3A_422] : memref<2x1024x32xf32, #tpu.memory_space<vmem>> -> memref<1x1024x32xf32, #tpu.memory_space<vmem>>
    %dma_start3A_424 = tpu.memref_squeeze %dma_start3A_423 : memref<1x1024x32xf32, #tpu.memory_space<vmem>> -> memref<1024x32xf32, #tpu.memory_space<vmem>>
    tpu.enqueue_dma source(%dma_start3A_424 : memref<1024x32xf32, #tpu.memory_space<vmem>>) target(%dma_start3A_420 : memref<1024x32xf32, #tpu.memory_space<hbm>>) target_semaphore(%arg10 : memref<!tpu.dma_semaphore, #tpu.memory_space<semaphore_mem>>)
    %add3A_425 = arith.constant 100352 : i32
    %add3A_426 = arith.addi %mul3A_2, %add3A_425 : i32
    %dma_wait3A_427 = arith.constant 0 : i32
    %dma_wait3A_428 = arith.constant 0 : i32
    %dma_wait3A_429 = arith.constant 0 : i32
    %dma_wait3A_430 = tpu.memref_slice %arg6[%dma_wait3A_427, %dma_wait3A_428, %dma_wait3A_429] : memref<2x1024x32xf32, #tpu.memory_space<vmem>> -> memref<1x1024x32xf32, #tpu.memory_space<vmem>>
    %dma_wait3A_431 = tpu.memref_squeeze %dma_wait3A_430 : memref<1x1024x32xf32, #tpu.memory_space<vmem>> -> memref<1024x32xf32, #tpu.memory_space<vmem>>
    %dma_wait3A_432 = arith.constant 0 : i32
    %dma_wait3A_433 = tpu.memref_slice %arg4[%add3A_426, %dma_wait3A_432] : memref<3276800x32xf32, #tpu.memory_space<hbm>> -> memref<1024x32xf32, #tpu.memory_space<hbm>>
    %dma_wait3A_434 = arith.constant 0 : i32
    %dma_wait3A_435 = tpu.memref_slice %arg4[%add3A_426, %dma_wait3A_434] : memref<3276800x32xf32, #tpu.memory_space<hbm>> -> memref<1024x32xf32, #tpu.memory_space<hbm>>
    %dma_wait3A_436 = arith.constant 0 : i32
    %dma_wait3A_437 = arith.constant 0 : i32
    %dma_wait3A_438 = tpu.memref_slice %arg6[%dma_wait3A_427, %dma_wait3A_436, %dma_wait3A_437] : memref<2x1024x32xf32, #tpu.memory_space<vmem>> -> memref<1x1024x32xf32, #tpu.memory_space<vmem>>
    %dma_wait3A_439 = tpu.memref_squeeze %dma_wait3A_438 : memref<1x1024x32xf32, #tpu.memory_space<vmem>> -> memref<1024x32xf32, #tpu.memory_space<vmem>>
    tpu.wait_dma2 semaphore(%arg9 : memref<!tpu.dma_semaphore, #tpu.memory_space<semaphore_mem>>) src(%dma_wait3A_439 : memref<1024x32xf32, #tpu.memory_space<vmem>>) dst(%dma_wait3A_435 : memref<1024x32xf32, #tpu.memory_space<hbm>>)
    %add3A_440 = arith.constant 101376 : i32
    %add3A_441 = arith.addi %mul3A_2, %add3A_440 : i32
    %dma_wait3A_442 = arith.constant 1 : i32
    %dma_wait3A_443 = arith.constant 0 : i32
    %dma_wait3A_444 = arith.constant 0 : i32
    %dma_wait3A_445 = tpu.memref_slice %arg6[%dma_wait3A_442, %dma_wait3A_443, %dma_wait3A_444] : memref<2x1024x32xf32, #tpu.memory_space<vmem>> -> memref<1x1024x32xf32, #tpu.memory_space<vmem>>
    %dma_wait3A_446 = tpu.memref_squeeze %dma_wait3A_445 : memref<1x1024x32xf32, #tpu.memory_space<vmem>> -> memref<1024x32xf32, #tpu.memory_space<vmem>>
    %dma_wait3A_447 = arith.constant 0 : i32
    %dma_wait3A_448 = tpu.memref_slice %arg4[%add3A_441, %dma_wait3A_447] : memref<3276800x32xf32, #tpu.memory_space<hbm>> -> memref<1024x32xf32, #tpu.memory_space<hbm>>
    %dma_wait3A_449 = arith.constant 0 : i32
    %dma_wait3A_450 = tpu.memref_slice %arg4[%add3A_441, %dma_wait3A_449] : memref<3276800x32xf32, #tpu.memory_space<hbm>> -> memref<1024x32xf32, #tpu.memory_space<hbm>>
    %dma_wait3A_451 = arith.constant 0 : i32
    %dma_wait3A_452 = arith.constant 0 : i32
    %dma_wait3A_453 = tpu.memref_slice %arg6[%dma_wait3A_442, %dma_wait3A_451, %dma_wait3A_452] : memref<2x1024x32xf32, #tpu.memory_space<vmem>> -> memref<1x1024x32xf32, #tpu.memory_space<vmem>>
    %dma_wait3A_454 = tpu.memref_squeeze %dma_wait3A_453 : memref<1x1024x32xf32, #tpu.memory_space<vmem>> -> memref<1024x32xf32, #tpu.memory_space<vmem>>
    tpu.wait_dma2 semaphore(%arg10 : memref<!tpu.dma_semaphore, #tpu.memory_space<semaphore_mem>>) src(%dma_wait3A_454 : memref<1024x32xf32, #tpu.memory_space<vmem>>) dst(%dma_wait3A_450 : memref<1024x32xf32, #tpu.memory_space<hbm>>)
    return
  }
}

</mosaic_0001>

<sc_bundles>
// kernel: _sc_gather.3.cloned.1.call-start
scs
__scs_entry_jumppad:
0x0: {  	(pc) =	sbr.rel $0x88, $3  }
0x1: {  	(tag) =	ssettag $0x0;
	lr =	simm.s32 $0x1  }
0x2: {  	[smem:$0x3F9F] =	sst lr;
	_ =	strace $0xD0000000  }
0x3: {  	_ = 	snop  }
0x4: {  	_ = 	snop  }
0x5: {  	_ = 	snop  }
0x6: {  	_ = 	snop  }
0x7: {  	_ = 	snop  }
__scs_overlays_trampoline_lowered:
0x8: {  	[smem:$0x3FAE] =	sst s0  }
0x9: {  	[smem:$0x3FAF] =	sst s1  }
0xa: {  	[smem:$0x3FB0] =	sst s2  }
0xb: {  	[smem:$0x3FB1] =	sst s3  }
0xc: {  	[smem:$0x3FB2] =	sst s4  }
0xd: {  	[smem:$0x3FB3] =	sst s5  }
0xe: {  	[smem:$0x3FB4] =	sst s6  }
0xf: {  	[smem:$0x3FB5] =	sst s7  }
0x10: {  	[smem:$0x3FB6] =	sst s8  }
0x11: {  	[smem:$0x3FB7] =	sst s9;
	s0 =	simm.s32 @!p0 $0x0  }
0x12: {  	s1 =	sld [smem:$0x3F9D];
	s0 =	simm.s32 @p0 $0x1  }
0x13: {  	[smem:$0x3FB8] =	sst s0;
	s0 =	simm.s32 @!p1 $0x0  }
0x14: {  	s2 =	sld [smem:$0x3F9C];
	s0 =	simm.s32 @p1 $0x1  }
0x15: {  	[smem:$0x3FB9] =	sst s0;
	s0 =	simm.s32 @!p2 $0x0  }
0x16: {  	s3 =	sld [smem:$0x3FDB];
	s0 =	simm.s32 @p2 $0x1  }
0x17: {  	s4 =	simm.s32 $0x1BF5;
	[smem:$0x3FBB] =	sst s0  }
0x18: {  	s0 =	sld [smem:$0x3F9E];
	_ =	swait.ge [sflag:s4], $0x0  }
0x19: {  	s7 =	sld [smem:$0x3F9F]  }
0x1a: {  	s8 =	sadd.s32 $0xFFFFE003, lr  }
0x1b: {  	s9 =	sadd.s32 $0xFFFFFEF7, lr;
	s5 =	simm.s32 $0xFFFFFFFF;
	p2 =	slt.u32 s8, $0xFFFFF086  }
0x1c: {  	p1 =	slt.u32 s9, $0xF7A;
	s5 =	simm.s32 @!p2 $0x0  }
0x1d: {  	s5 =	simm.s32 @p1 $0x1;
	p0 =	seq.s32 s7, s2  }
0x1e: {  	s7 =	smul.u32 @!p0 $0xF7A, s2;
	p2 =	seq.s32 @!p0 s5, $0x0  }
0x1f: {  	s9 =	smul.u32 $0xF7A, s1;
	s8 =	simm.s32 @!p0 $0x1BF5;
	p2 =	por !p2, p0  }
0x20: {  	[sflag:s8] =	ssyncset.s32 @!p0 $0xFFFFF086;
	s6 =	sadd.s32 @!p0 s3, s7;
	s7 =	simm.s32 @!p0 $0x108  }
0x21: {  	s3 =	sadd.s32 s3, s9;
	s6 =	sadd.s32 @!p0 $0x88, s6;
	s7 =	simm.s32 @p2 $0x1082  }
0x22: {  	[simem:s7], [sflag:s8] =	dma.local @!p0 [hbm:s6], $0xF7A  }
0x23: {  	s9 =	sor.u32 $0xD0000000, s2;
	s6 =	simm.s32 $0x108;
	_ =	swait.ge @!p0 [sflag:s8], $0x0  }
0x24: {  	s3 =	sadd.s32 $0x88, s3;
	s6 =	simm.s32 @!p1 $0x1082;
	[sflag:s4] =	ssyncset.s32 $0xFFFFF086  }
0x25: {  	[simem:s6], [sflag:s4] =	dma.local [hbm:s3], $0xF7A  }
0x26: {  	[smem:$0x3F9F] =	sst s1;
	(tag) =	ssettag s2;
	_ =	strace s9  }
0x27: {  	s1 =	sld [smem:$0x3FAF]  }
0x28: {  	s2 =	sld [smem:$0x3FB0]  }
0x29: {  	s4 =	sld [smem:$0x3FB2]  }
0x2a: {  	p0 =	seq.s32 s5, $0x0;
	s5 =	sld [smem:$0x3FB3]  }
0x2b: {  	s6 =	sld [smem:$0x3FB4]  }
0x2c: {  	s7 =	sld [smem:$0x3FB5]  }
0x2d: {  	s3 =	simm.s32 $0x108;
	s8 =	sld [smem:$0x3FB6]  }
0x2e: {  	s3 =	simm.s32 @!p0 $0x1082;
	s9 =	sld [smem:$0x3FB7]  }
0x2f: {  	lr =	sadd.s32 s0, s3;
	s0 =	sld [smem:$0x3FAE]  }
0x30: {  	s3 =	sld [smem:$0x3FB1]  }
0x31: {  	[smem:$0x3FBA] =	sst s10  }
0x32: {  	s10 =	sld [smem:$0x3FB8];
	_ =	sdelay $0x3  }
0x33: {  	p0 =	seq.s32 s10, $0x1;
	s10 =	sld [smem:$0x3FBA];
	_ =	sdelay $0x3  }
0x34: {  	[smem:$0x3FBA] =	sst s10  }
0x35: {  	s10 =	sld [smem:$0x3FB9];
	_ =	sdelay $0x3  }
0x36: {  	p1 =	seq.s32 s10, $0x1;
	s10 =	sld [smem:$0x3FBA];
	_ =	sdelay $0x3  }
0x37: {  	[smem:$0x3FBA] =	sst s10  }
0x38: {  	s10 =	sld [smem:$0x3FBB]  }
0x39: {  	_ = 	snop;
	(pc) =	sbr.ind lr, $3  }
0x3a: {  	_ = 	snop  }
0x3b: {  	_ = 	snop  }
0x3c: {  	p2 =	seq.s32 s10, $0x1;
	s10 =	sld [smem:$0x3FBA]  }
0x3d: {  	_ =	shalt  }
0x3e: {  	_ =	shalt  }
0x3f: {  	_ =	shalt  }
0x40: {  	_ =	shalt  }
0x41: {  	_ =	shalt  }
0x42: {  	_ =	shalt  }
0x43: {  	_ =	shalt  }
0x44: {  	_ =	shalt  }
0x45: {  	_ =	shalt  }
0x46: {  	_ =	shalt  }
0x47: {  	_ =	shalt  }
0x48: {  	_ =	shalt  }
0x49: {  	_ =	shalt  }
0x4a: {  	_ =	shalt  }
0x4b: {  	_ =	shalt  }
0x4c: {  	_ =	shalt  }
0x4d: {  	_ =	shalt  }
0x4e: {  	_ =	shalt  }
0x4f: {  	_ =	shalt  }
0x50: {  	_ =	shalt  }
0x51: {  	_ =	shalt  }
0x52: {  	_ =	shalt  }
0x53: {  	_ =	shalt  }
0x54: {  	_ =	shalt  }
0x55: {  	_ =	shalt  }
0x56: {  	_ =	shalt  }
0x57: {  	_ =	shalt  }
0x58: {  	_ =	shalt  }
0x59: {  	_ =	shalt  }
0x5a: {  	_ =	shalt  }
0x5b: {  	_ =	shalt  }
0x5c: {  	_ =	shalt  }
0x5d: {  	_ =	shalt  }
0x5e: {  	_ =	shalt  }
0x5f: {  	_ =	shalt  }
0x60: {  	_ =	shalt  }
0x61: {  	_ =	shalt  }
0x62: {  	_ =	shalt  }
0x63: {  	_ =	shalt  }
0x64: {  	_ =	shalt  }
0x65: {  	_ =	shalt  }
0x66: {  	_ =	shalt  }
0x67: {  	_ =	shalt  }
0x68: {  	_ =	shalt  }
0x69: {  	_ =	shalt  }
0x6a: {  	_ =	shalt  }
0x6b: {  	_ =	shalt  }
0x6c: {  	_ =	shalt  }
0x6d: {  	_ =	shalt  }
0x6e: {  	_ =	shalt  }
0x6f: {  	_ =	shalt  }
0x70: {  	_ =	shalt  }
0x71: {  	_ =	shalt  }
0x72: {  	_ =	shalt  }
0x73: {  	_ =	shalt  }
0x74: {  	_ =	shalt  }
0x75: {  	_ =	shalt  }
0x76: {  	_ =	shalt  }
0x77: {  	_ =	shalt  }
0x78: {  	_ =	shalt  }
0x79: {  	_ =	shalt  }
0x7a: {  	_ =	shalt  }
0x7b: {  	_ =	shalt  }
0x7c: {  	_ =	shalt  }
0x7d: {  	_ =	shalt  }
0x7e: {  	_ =	shalt  }
0x7f: {  	_ =	shalt  }
0x80: {  	_ =	shalt  }
0x81: {  	_ =	shalt  }
0x82: {  	_ =	shalt  }
0x83: {  	_ =	shalt  }
0x84: {  	_ =	shalt  }
0x85: {  	_ =	shalt  }
0x86: {  	_ =	shalt  }
0x87: {  	_ =	shalt  }
.Lfunc_end0:
.L_simem_size_0:
called_computation.1_lowered:
.L_overlay_start_0:
0x88: {  	s2 =	sld [smem:$0x3FD9]  }
0x89: {  	s3 =	sld [smem:$0x3FFE];
	_ =	sdelay $0x1  }
0x8a: {  	s1 =	srdreg.scid  }
0x8b: {  	s0 =	sand.u32 $0x1, s1  }
0x8c: {  	s17 =	sshll.u32 s0, $0xA;
	s2 =	sadd.s32 s3, s2  }
0x8d: {  	s2 =	sadd.s32 s2, s17  }
0x8e: {  	[smem:$0x3FC6] =	sst s2  }
0x8f: {  	_ = 	snop  }
0x90: {  	s2 =	sld [smem:$0x3FC9]  }
0x91: {  	s18 =	sld [smem:$0x3FD0];
	(tm) =	ssettm $0x1  }
0x92: {  	s4 =	sld [smem:$0x3FFB];
	_ =	sdelay $0x3  }
0x93: {  	_ =	strace s4  }
0x94: {  	s4 =	sld [smem:$0x3FFC];
	_ =	sdelay $0x3  }
0x95: {  	_ =	strace s4  }
0x96: {  	s4 =	sld [smem:$0x3FFD];
	_ =	sdelay $0x3  }
0x97: {  	_ =	strace s4  }
0x98: {  	_ =	strace $0x8FFFFFFF  }
0x99: {  	s19 =	sld [smem:$0x3FDB];
	_ =	sdelay $0x1  }
0x9a: {  	s5 =	simm.s32 $_scs_section_size  }
0x9b: {  	s6 =	simm.s32 $_size__tile_overlayer_lowered;
	s7 =	simm.s32 $_tile_overlayer_lowered  }
0x9c: {  	s22 =	simm.s32 $0x1BFF;
	s21 =	sshll.u32 s7, $0x1;
	s4 =	sadd.s32 s5, s19  }
0x9d: {  	s8 =	simm.s32 $0x0;
	s20 =	sshll.u32 s6, $0x1;
	s6 =	sadd.s32 s21, s4  }
0x9e: {  	[timem:s8], [sflag:s22] =	dma.local [hbm:s6], s20  }
0x9f: {  	_ =	swait.ge [sflag:s22], s20  }
0xa0: {  	s5 =	ssub.s32 $0x0, s20;
	[sflag:s22] =	ssyncset.done $0x0  }
0xa1: {  	[sflag:s22] =	ssyncadd.s32 s5;
	_ =	sdelay $0x1  }
0xa2: {  	s23 =	simm.s32 $0x1B8B  }
0xa3: {  	_ =	swait.ge [sflag:s23], $0x1  }
0xa4: {  	[sflag:s23] =	ssyncset.done $0x0  }
0xa5: {  	s25 =	simm.s32 $0x1B8E;
	s24 =	sld [smem:$0x3FFE];
	[sflag:s23] =	ssyncadd.s32 $0xFFFFFFFF  }
0xa6: {  	s26 =	simm.s32 $execute0_lowered;
	[smem:$0x3FD2] =	sst s25  }
0xa7: {  	s6 =	sshll.u32 s26, $0x1;
	_ =	strace $0x80000046;
	[dreg:$0x1] =	wrdreg $0xFFFFFFFF  }
0xa8: {  	s28 =	simm.s32 $_size_execute0_lowered;
	s4 =	sadd.s32 s4, s6;
	[dreg:$0x0] =	wrdreg $0x0  }
0xa9: {  	s6 =	sshll.u32 s28, $0x1;
	[dreg:$0x2] =	wrdreg s4  }
0xaa: {  	[dreg:$0x3] =	wrdreg s6  }
0xab: {  	[dreg:$0x4] =	wrdreg $0xC0  }
0xac: {  	_ =	task [dreg:s8], $0x5FFFF  }
0xad: {  	[dreg:$0x1] =	wrdreg $0xFFFFFFFF  }
0xae: {  	[dreg:$0x0] =	wrdreg $0x60  }
0xaf: {  	[dreg:$0x2] =	wrdreg s2  }
0xb0: {  	[dreg:$0x3] =	wrdreg s24  }
0xb1: {  	[dreg:$0x4] =	wrdreg s18  }
0xb2: {  	[dreg:$0x5] =	wrdreg $0x9  }
0xb3: {  	_ =	task.clear_ibuf [dreg:s8], $0x6FFFF;
	_ =	strace $0x90000046  }
0xb4: {  	s29 =	simm.s32 $0x9;
	_ =	strace $0x80000048  }
0xb5: {  	_ =	swait.ge [sflag:s29], $0x1  }
0xb6: {  	[sflag:s29] =	ssyncadd.s32 $0xFFFFFFFF  }
0xb7: {  	_ =	strace $0x90000048  }
0xb8: {  	_ =	sfence  }
0xb9: {  	s30 =	sld [smem:$0x0];
	_ =	sdelay $0x2  }
0xba: {  	s31 =	sshll.u32 s1, $0xD;
	s1 =	sshrl.u32 s1, $0x2  }
0xbb: {  	s3 =	sand.u32 $0x4000, s31;
	s1 =	sadd.s32 s1, s30  }
0xbc: {  	s0 =	sor.u32 s3, s0;
	s1 =	sshll.u32 s1, $0x11  }
0xbd: {  	s0 =	sor.u32 s1, s0  }
0xbe: {  	s0 =	sadd.s32 $0x8F2B, s0  }
0xbf: {  	[sflag:s0] =	ssyncadd.remote.s32 $0x1  }
0xc0: {  	_ =	sfence.sel $0xFFFF  }
0xc1: {  	[dreg:$0x0] =	wrdreg $0xFFFFFFFF;
	(pc) =	sbr.abs _section_cstart, $3  }
0xc2: {  	[dreg:$0x1] =	wrdreg $0xFFFFFFFF  }
0xc3: {  	_ =	task.clear_ibuf [dreg:s8], $0x2FFFF;
	_ =	strace $0x9FFFFFFF  }
0xc4: {  	(tm) =	ssettm $0x7FFFFFFF  }
0xc5: {  	_ =	shalt  }
tec
execute0_lowered:
.L_overlay_start_1:
0x0: {  	(tag) =	ssettag $0x1  }
0x1: {  	s0 =	rddreg [dreg:$0x0]  }
0x2: {  	s1 =	srdreg.scid;
	s3 =	rddreg [dreg:$0x1]  }
0x3: {  	s11 =	stileid.u32;
	s4 =	rddreg [dreg:$0x2];
	s13 =	simm.s32 $0x800  }
0x4: {  	s14 =	simm.s32 $0x7800;
	s28 =	simm.s32 $0x400;
	s29 =	simm.s32 $0x8800  }
0x5: {  	s15 =	simm.s32 $0x480;
	s16 =	simm.s32 $0x9800;
	s30 =	simm.s32 $0xA800  }
0x6: {  	s31 =	simm.s32 $0x580;
	s17 =	simm.s32 $0x1;
	s8 =	smul.u32 $0x640000, s11  }
0x7: {  	s1 =	sand.u32 $0x1, s1;
	s2 =	sshll.u32 s11, $0x1;
	s11 =	smul.u32 $0x32000, s11  }
0x8: {  	s18 =	simm.s32 $0x3;
	s19 =	simm.s32 $0x2;
	s10 =	smul.u32 $0x320000, s1  }
0x9: {  	s5 =	sor.u32 s1, s2;
	s7 =	ssub.s32 $0x2, s1;
	s1 =	smul.u32 $0x19000, s1  }
0xa: {  	s3 =	sadd.s32 $0xF42C00, s3;
	s2 =	simm.s32 $0x0;
	s6 =	smul.u32 $0x19000, s5  }
0xb: {  	[smem:$0x7FF] =	sst s2;
	s5 =	smul.u32 $0x320000, s5;
	s9 =	sshrl.u32 s7, $0x1  }
0xc: {  	_ =	strace $0x80000047;
	s20 =	ssub.s32 s7, s9;
	s23 =	sadd.s32 s10, s8  }
0xd: {  	s1 =	sadd.s32 s1, s11;
	s11 =	simm.s32 $0x5;
	s7 =	simm.s32 $0x280  }
0xe: {  	s8 =	simm.s32 $0x5800;
	s9 =	simm.s32 $0x6800;
	s10 =	simm.s32 $0x380  }
0xf: {  	s6 =	sshrl.u32 s6, $0x3;
	s5 =	sshrl.u32 s5, $0x3;
	s24 =	sor.u32 $0xC00, s1  }
0x10: {  	s26 =	sor.u32 $0x800, s1;
	s1 =	sshll.u32 s1, $0x2;
	s12 =	sadd.s32 s0, s6  }
0x11: {  	s5 =	sadd.s32 s4, s5;
	s6 =	smax.u32 s20, $0x1;
	s25 =	sshrl.u32 s24, $0x3  }
0x12: {  	s1 =	sadd.s32 s1, s4;
	s24 =	simm.s32 $0x100;
	[dreg:$0x6] =	wrdreg s12  }
0x13: {  	s20 =	simm.s32 $0x4;
	s21 =	sadd.s32 $0x80, s12;
	[dreg:$0xa] =	wrdreg s6  }
0x14: {  	s22 =	sadd.s32 $0x62000, s5;
	s5 =	sadd.s32 $0x63000, s5;
	[dreg:$0x7] =	wrdreg s21  }
0x15: {  	s6 =	sshrl.u32 s26, $0x3;
	s1 =	sadd.s32 $0x1000, s1;
	[dreg:$0x8] =	wrdreg s22  }
0x16: {  	s12 =	simm.s32 $0x80;
	s26 =	simm.s32 $0x500;
	[dreg:$0x9] =	wrdreg s5  }
0x17: {  	s5 =	sshrl.u32 s23, $0x3;
	[dreg:$0xc] =	wrdreg s1;
	s23 =	simm.s32 $0x1800  }
0x18: {  	s1 =	simm.s32 $0x180;
	s22 =	simm.s32 $0xB800;
	s21 =	simm.s32 $0x0  }
0x19: {  	s5 =	sadd.s32 s5, s4;
	s4 =	simm.s32 $0x300;
	[dreg:$0xd] =	wrdreg s21  }
0x1a: {  	[dreg:$0xb] =	wrdreg s5;
	s5 =	sadd.s32 s25, s0;
	s0 =	sadd.s32 s6, s0  }
0x1b: {  	s25 =	simm.s32 $0x2800;
	s6 =	simm.s32 $0x4800;
	[dreg:$0x4] =	wrdreg s5  }
0x1c: {  	[dreg:$0x5] =	wrdreg s0;
	s0 =	simm.s32 $0x3800;
	s5 =	simm.s32 $0x200  }
.LBB2_1:
0x1d: {  	s21 =	rddreg [dreg:$0x6]  }
0x1e: {  	[tilespmem:s2], [sflag:$0x5] =	stream.linear.gather [hbm4b:s21+s2], $0x400, $0x38;
	[tilespmem:$0x10800] =	vst v63  }
0x1f: {  	_ =	swait.ge [sflag:s11], $0x400  }
0x20: {  	[sflag:s11] =	ssyncset.done $0x0  }
0x21: {  	[sflag:s11] =	ssyncadd.s32 $0xFFFFFC00  }
0x22: {  	[tilespmem:s13], [sflag:$0x1] =	stream.indirect.gather [hbm4b:s3+s12], $0x20, s2, s12, $0xb8;
	[tilespmem:$0x10800] =	vst v63  }
0x23: {  	_ = 	snop  }
0x24: {  	[tilespmem:s23], [sflag:$0x1] =	stream.indirect.gather [hbm4b:s3+s12], $0x20, s12, s12, $0xb8;
	[tilespmem:$0x10800] =	vst v63  }
0x25: {  	_ = 	snop  }
0x26: {  	[tilespmem:s25], [sflag:$0x1] =	stream.indirect.gather [hbm4b:s3+s12], $0x20, s24, s12, $0xb8;
	[tilespmem:$0x10800] =	vst v63  }
0x27: {  	_ = 	snop  }
0x28: {  	[tilespmem:s0], [sflag:$0x1] =	stream.indirect.gather [hbm4b:s3+s12], $0x20, s1, s12, $0xb8;
	[tilespmem:$0x10800] =	vst v63  }
0x29: {  	_ = 	snop  }
0x2a: {  	[tilespmem:s6], [sflag:$0x1] =	stream.indirect.gather [hbm4b:s3+s12], $0x20, s5, s12, $0xb8;
	[tilespmem:$0x10800] =	vst v63  }
0x2b: {  	_ = 	snop  }
0x2c: {  	[tilespmem:s8], [sflag:$0x1] =	stream.indirect.gather [hbm4b:s3+s12], $0x20, s7, s12, $0xb8;
	[tilespmem:$0x10800] =	vst v63  }
0x2d: {  	_ = 	snop  }
0x2e: {  	[tilespmem:s9], [sflag:$0x1] =	stream.indirect.gather [hbm4b:s3+s12], $0x20, s4, s12, $0xb8;
	[tilespmem:$0x10800] =	vst v63  }
0x2f: {  	_ = 	snop  }
0x30: {  	[tilespmem:s14], [sflag:$0x1] =	stream.indirect.gather [hbm4b:s3+s12], $0x20, s10, s12, $0xb8;
	[tilespmem:$0x10800] =	vst v63  }
0x31: {  	s21 =	rddreg [dreg:$0x7]  }
0x32: {  	[tilespmem:s28], [sflag:$0x5] =	stream.linear.gather [hbm4b:s21+s2], $0x400, $0x38;
	[tilespmem:$0x10800] =	vst v63  }
0x33: {  	_ =	swait.ge [sflag:s11], $0x400  }
0x34: {  	[sflag:s11] =	ssyncset.done $0x0  }
0x35: {  	[sflag:s11] =	ssyncadd.s32 $0xFFFFFC00  }
0x36: {  	[tilespmem:s29], [sflag:$0x2] =	stream.indirect.gather [hbm4b:s3+s12], $0x20, s28, s12, $0xb8;
	[tilespmem:$0x10800] =	vst v63  }
0x37: {  	_ = 	snop  }
0x38: {  	[tilespmem:s16], [sflag:$0x2] =	stream.indirect.gather [hbm4b:s3+s12], $0x20, s15, s12, $0xb8;
	[tilespmem:$0x10800] =	vst v63  }
0x39: {  	_ = 	snop  }
0x3a: {  	[tilespmem:s30], [sflag:$0x2] =	stream.indirect.gather [hbm4b:s3+s12], $0x20, s26, s12, $0xb8;
	[tilespmem:$0x10800] =	vst v63  }
0x3b: {  	_ = 	snop  }
0x3c: {  	[tilespmem:s22], [sflag:$0x2] =	stream.indirect.gather [hbm4b:s3+s12], $0x20, s31, s12, $0xb8;
	[tilespmem:$0x10800] =	vst v63  }
0x3d: {  	s21 =	simm.s32 $0x600;
	s22 =	simm.s32 $0xC800  }
0x3e: {  	[tilespmem:s22], [sflag:$0x2] =	stream.indirect.gather [hbm4b:s3+s12], $0x20, s21, s12, $0xb8;
	[tilespmem:$0x10800] =	vst v63  }
0x3f: {  	s21 =	simm.s32 $0x680;
	s22 =	simm.s32 $0xD800  }
0x40: {  	[tilespmem:s22], [sflag:$0x2] =	stream.indirect.gather [hbm4b:s3+s12], $0x20, s21, s12, $0xb8;
	[tilespmem:$0x10800] =	vst v63  }
0x41: {  	s21 =	simm.s32 $0x700;
	s22 =	simm.s32 $0xE800  }
0x42: {  	[tilespmem:s22], [sflag:$0x2] =	stream.indirect.gather [hbm4b:s3+s12], $0x20, s21, s12, $0xb8;
	[tilespmem:$0x10800] =	vst v63  }
0x43: {  	s21 =	simm.s32 $0x780;
	s22 =	simm.s32 $0xF800  }
0x44: {  	[tilespmem:s22], [sflag:$0x2] =	stream.indirect.gather [hbm4b:s3+s12], $0x20, s21, s12, $0xb8;
	[tilespmem:$0x10800] =	vst v63  }
0x45: {  	_ =	swait.ge [sflag:s17], $0x1000  }
0x46: {  	[sflag:s17] =	ssyncset.done $0x0  }
0x47: {  	[sflag:s17] =	ssyncadd.s32 $0xFFFFF000  }
0x48: {  	_ =	swait.ge [sflag:s17], $0x1000  }
0x49: {  	[sflag:s17] =	ssyncset.done $0x0  }
0x4a: {  	[sflag:s17] =	ssyncadd.s32 $0xFFFFF000  }
0x4b: {  	_ =	swait.ge [sflag:s17], $0x1000  }
0x4c: {  	[sflag:s17] =	ssyncset.done $0x0  }
0x4d: {  	[sflag:s17] =	ssyncadd.s32 $0xFFFFF000  }
0x4e: {  	_ =	swait.ge [sflag:s17], $0x1000  }
0x4f: {  	[sflag:s17] =	ssyncset.done $0x0  }
0x50: {  	[sflag:s17] =	ssyncadd.s32 $0xFFFFF000  }
0x51: {  	_ =	swait.ge [sflag:s17], $0x1000  }
0x52: {  	[sflag:s17] =	ssyncset.done $0x0  }
0x53: {  	[sflag:s17] =	ssyncadd.s32 $0xFFFFF000  }
0x54: {  	_ =	swait.ge [sflag:s17], $0x1000  }
0x55: {  	[sflag:s17] =	ssyncset.done $0x0  }
0x56: {  	[sflag:s17] =	ssyncadd.s32 $0xFFFFF000  }
0x57: {  	_ =	swait.ge [sflag:s17], $0x1000  }
0x58: {  	[sflag:s17] =	ssyncset.done $0x0  }
0x59: {  	[sflag:s17] =	ssyncadd.s32 $0xFFFFF000  }
0x5a: {  	_ =	swait.ge [sflag:s17], $0x1000  }
0x5b: {  	[sflag:s17] =	ssyncset.done $0x0  }
0x5c: {  	s22 =	rddreg [dreg:$0xb];
	[sflag:s17] =	ssyncadd.s32 $0xFFFFF000  }
0x5d: {  	[hbm4b:s22+s2] =	stream.linear.scatter [tilespmem:s13], [sflag:$0x3], $0x8000, $0x38;
	[tilespmem:$0x10800] =	vst v63  }
0x5e: {  	_ =	swait.ge [sflag:s18], $0x8000  }
0x5f: {  	s21 =	rddreg [dreg:$0x5];
	[sflag:s18] =	ssyncset.done $0x0  }
0x60: {  	[sflag:s18] =	ssyncadd.s32 $0xFFFF8000;
	s21 =	sadd.s32 $0x0, s21  }
0x61: {  	[tilespmem:s2], [sflag:$0x5] =	stream.linear.gather [hbm4b:s21+s2], $0x400, $0x38;
	[tilespmem:$0x10800] =	vst v63  }
0x62: {  	_ =	swait.ge [sflag:s11], $0x400  }
0x63: {  	[sflag:s11] =	ssyncset.done $0x0  }
0x64: {  	[sflag:s11] =	ssyncadd.s32 $0xFFFFFC00  }
0x65: {  	[tilespmem:s13], [sflag:$0x1] =	stream.indirect.gather [hbm4b:s3+s12], $0x20, s2, s12, $0xb8;
	[tilespmem:$0x10800] =	vst v63  }
0x66: {  	_ = 	snop  }
0x67: {  	[tilespmem:s23], [sflag:$0x1] =	stream.indirect.gather [hbm4b:s3+s12], $0x20, s12, s12, $0xb8;
	[tilespmem:$0x10800] =	vst v63  }
0x68: {  	_ = 	snop  }
0x69: {  	[tilespmem:s25], [sflag:$0x1] =	stream.indirect.gather [hbm4b:s3+s12], $0x20, s24, s12, $0xb8;
	[tilespmem:$0x10800] =	vst v63  }
0x6a: {  	_ = 	snop  }
0x6b: {  	[tilespmem:s0], [sflag:$0x1] =	stream.indirect.gather [hbm4b:s3+s12], $0x20, s1, s12, $0xb8;
	[tilespmem:$0x10800] =	vst v63  }
0x6c: {  	_ = 	snop  }
0x6d: {  	[tilespmem:s6], [sflag:$0x1] =	stream.indirect.gather [hbm4b:s3+s12], $0x20, s5, s12, $0xb8;
	[tilespmem:$0x10800] =	vst v63  }
0x6e: {  	_ = 	snop  }
0x6f: {  	[tilespmem:s8], [sflag:$0x1] =	stream.indirect.gather [hbm4b:s3+s12], $0x20, s7, s12, $0xb8;
	[tilespmem:$0x10800] =	vst v63  }
0x70: {  	_ = 	snop  }
0x71: {  	[tilespmem:s9], [sflag:$0x1] =	stream.indirect.gather [hbm4b:s3+s12], $0x20, s4, s12, $0xb8;
	[tilespmem:$0x10800] =	vst v63  }
0x72: {  	_ = 	snop  }
0x73: {  	[tilespmem:s14], [sflag:$0x1] =	stream.indirect.gather [hbm4b:s3+s12], $0x20, s10, s12, $0xb8;
	[tilespmem:$0x10800] =	vst v63  }
0x74: {  	_ =	swait.ge [sflag:s19], $0x1000  }
0x75: {  	[sflag:s19] =	ssyncset.done $0x0  }
0x76: {  	[sflag:s19] =	ssyncadd.s32 $0xFFFFF000  }
0x77: {  	_ =	swait.ge [sflag:s19], $0x1000  }
0x78: {  	[sflag:s19] =	ssyncset.done $0x0  }
0x79: {  	[sflag:s19] =	ssyncadd.s32 $0xFFFFF000  }
0x7a: {  	_ =	swait.ge [sflag:s19], $0x1000  }
0x7b: {  	[sflag:s19] =	ssyncset.done $0x0  }
0x7c: {  	[sflag:s19] =	ssyncadd.s32 $0xFFFFF000  }
0x7d: {  	_ =	swait.ge [sflag:s19], $0x1000  }
0x7e: {  	[sflag:s19] =	ssyncset.done $0x0  }
0x7f: {  	[sflag:s19] =	ssyncadd.s32 $0xFFFFF000  }
0x80: {  	_ =	swait.ge [sflag:s19], $0x1000  }
0x81: {  	[sflag:s19] =	ssyncset.done $0x0  }
0x82: {  	[sflag:s19] =	ssyncadd.s32 $0xFFFFF000  }
0x83: {  	_ =	swait.ge [sflag:s19], $0x1000  }
0x84: {  	[sflag:s19] =	ssyncset.done $0x0  }
0x85: {  	[sflag:s19] =	ssyncadd.s32 $0xFFFFF000  }
0x86: {  	_ =	swait.ge [sflag:s19], $0x1000  }
0x87: {  	[sflag:s19] =	ssyncset.done $0x0  }
0x88: {  	[sflag:s19] =	ssyncadd.s32 $0xFFFFF000  }
0x89: {  	_ =	swait.ge [sflag:s19], $0x1000  }
0x8a: {  	[sflag:s19] =	ssyncset.done $0x0  }
0x8b: {  	s23 =	rddreg [dreg:$0xc];
	[sflag:s19] =	ssyncadd.s32 $0xFFFFF000  }
0x8c: {  	[hbm4b:s23+s2] =	stream.linear.scatter [tilespmem:s29], [sflag:$0x4], $0x8000, $0x38;
	[tilespmem:$0x10800] =	vst v63  }
0x8d: {  	_ =	swait.ge [sflag:s20], $0x8000  }
0x8e: {  	s10 =	rddreg [dreg:$0x4];
	[sflag:s20] =	ssyncset.done $0x0  }
0x8f: {  	[sflag:s20] =	ssyncadd.s32 $0xFFFF8000;
	s21 =	sadd.s32 $0x0, s10  }
0x90: {  	[tilespmem:s28], [sflag:$0x5] =	stream.linear.gather [hbm4b:s21+s2], $0x400, $0x38;
	[tilespmem:$0x10800] =	vst v63  }
0x91: {  	_ =	swait.ge [sflag:s11], $0x400  }
0x92: {  	s22 =	sadd.s32 $0x2000, s22;
	[sflag:s11] =	ssyncset.done $0x0  }
0x93: {  	s24 =	simm.s32 $0xD800;
	s25 =	simm.s32 $0x700;
	[sflag:s11] =	ssyncadd.s32 $0xFFFFFC00  }
0x94: {  	[tilespmem:s29], [sflag:$0x2] =	stream.indirect.gather [hbm4b:s3+s12], $0x20, s28, s12, $0xb8;
	[tilespmem:$0x10800] =	vst v63  }
0x95: {  	s1 =	simm.s32 $0xA800;
	s0 =	simm.s32 $0x580;
	s5 =	simm.s32 $0x600  }
0x96: {  	[tilespmem:s16], [sflag:$0x2] =	stream.indirect.gather [hbm4b:s3+s12], $0x20, s15, s12, $0xb8;
	[tilespmem:$0x10800] =	vst v63  }
0x97: {  	s6 =	simm.s32 $0xC800;
	s7 =	simm.s32 $0x680;
	s8 =	simm.s32 $0xD800  }
0x98: {  	[tilespmem:s30], [sflag:$0x2] =	stream.indirect.gather [hbm4b:s3+s12], $0x20, s26, s12, $0xb8;
	[tilespmem:$0x10800] =	vst v63  }
0x99: {  	s4 =	simm.s32 $0x700;
	s9 =	simm.s32 $0xE800;
	s14 =	simm.s32 $0xB800  }
0x9a: {  	[tilespmem:s14], [sflag:$0x2] =	stream.indirect.gather [hbm4b:s3+s12], $0x20, s31, s12, $0xb8;
	[tilespmem:$0x10800] =	vst v63  }
0x9b: {  	s23 =	sadd.s32 $0x2000, s23;
	s15 =	simm.s32 $0x600;
	s16 =	simm.s32 $0xC800  }
0x9c: {  	[tilespmem:s16], [sflag:$0x2] =	stream.indirect.gather [hbm4b:s3+s12], $0x20, s15, s12, $0xb8;
	[tilespmem:$0x10800] =	vst v63  }
0x9d: {  	s10 =	simm.s32 $0xB800;
	s21 =	simm.s32 $0x680;
	s26 =	simm.s32 $0xE800  }
0x9e: {  	[tilespmem:s24], [sflag:$0x2] =	stream.indirect.gather [hbm4b:s3+s12], $0x20, s21, s12, $0xb8;
	[tilespmem:$0x10800] =	vst v63  }
0x9f: {  	s30 =	simm.s32 $0x100;
	s31 =	simm.s32 $0x2800;
	s15 =	simm.s32 $0x480  }
0xa0: {  	[tilespmem:s26], [sflag:$0x2] =	stream.indirect.gather [hbm4b:s3+s12], $0x20, s25, s12, $0xb8;
	[tilespmem:$0x10800] =	vst v63  }
0xa1: {  	s16 =	simm.s32 $0x9800;
	s21 =	simm.s32 $0x100;
	s26 =	simm.s32 $0x500  }
.LBB2_2:
0xa2: {  	s24 =	simm.s32 $0x780;
	s25 =	simm.s32 $0xF800  }
0xa3: {  	[tilespmem:s25], [sflag:$0x2] =	stream.indirect.gather [hbm4b:s3+s12], $0x20, s24, s12, $0xb8;
	[tilespmem:$0x10800] =	vst v63  }
0xa4: {  	_ =	swait.ge [sflag:s17], $0x1000  }
0xa5: {  	[sflag:s17] =	ssyncset.done $0x0  }
0xa6: {  	[sflag:s17] =	ssyncadd.s32 $0xFFFFF000  }
0xa7: {  	_ =	swait.ge [sflag:s17], $0x1000  }
0xa8: {  	[sflag:s17] =	ssyncset.done $0x0  }
0xa9: {  	[sflag:s17] =	ssyncadd.s32 $0xFFFFF000  }
0xaa: {  	_ =	swait.ge [sflag:s17], $0x1000  }
0xab: {  	[sflag:s17] =	ssyncset.done $0x0  }
0xac: {  	[sflag:s17] =	ssyncadd.s32 $0xFFFFF000  }
0xad: {  	_ =	swait.ge [sflag:s17], $0x1000  }
0xae: {  	[sflag:s17] =	ssyncset.done $0x0  }
0xaf: {  	[sflag:s17] =	ssyncadd.s32 $0xFFFFF000  }
0xb0: {  	_ =	swait.ge [sflag:s17], $0x1000  }
0xb1: {  	[sflag:s17] =	ssyncset.done $0x0  }
0xb2: {  	[sflag:s17] =	ssyncadd.s32 $0xFFFFF000  }
0xb3: {  	_ =	swait.ge [sflag:s17], $0x1000  }
0xb4: {  	[sflag:s17] =	ssyncset.done $0x0  }
0xb5: {  	[sflag:s17] =	ssyncadd.s32 $0xFFFFF000  }
0xb6: {  	_ =	swait.ge [sflag:s17], $0x1000  }
0xb7: {  	[sflag:s17] =	ssyncset.done $0x0  }
0xb8: {  	[sflag:s17] =	ssyncadd.s32 $0xFFFFF000  }
0xb9: {  	_ =	swait.ge [sflag:s17], $0x1000  }
0xba: {  	[sflag:s17] =	ssyncset.done $0x0  }
0xbb: {  	[sflag:s17] =	ssyncadd.s32 $0xFFFFF000  }
0xbc: {  	[hbm4b:s22+s2] =	stream.linear.scatter [tilespmem:s13], [sflag:$0x3], $0x8000, $0x38;
	[tilespmem:$0x10800] =	vst v63  }
0xbd: {  	_ =	swait.ge [sflag:s18], $0x8000  }
0xbe: {  	s24 =	smov.u32 s21;
	s14 =	rddreg [dreg:$0x5];
	[sflag:s18] =	ssyncset.done $0x0  }
0xbf: {  	[sflag:s18] =	ssyncadd.s32 $0xFFFF8000;
	s25 =	sadd.s32 s24, s14  }
0xc0: {  	[tilespmem:s2], [sflag:$0x5] =	stream.linear.gather [hbm4b:s25+s2], $0x400, $0x38;
	[tilespmem:$0x10800] =	vst v63  }
0xc1: {  	_ =	swait.ge [sflag:s11], $0x400  }
0xc2: {  	[sflag:s11] =	ssyncset.done $0x0  }
0xc3: {  	[sflag:s11] =	ssyncadd.s32 $0xFFFFFC00  }
0xc4: {  	[tilespmem:s13], [sflag:$0x1] =	stream.indirect.gather [hbm4b:s3+s12], $0x20, s2, s12, $0xb8;
	[tilespmem:$0x10800] =	vst v63  }
0xc5: {  	s14 =	simm.s32 $0x1800  }
0xc6: {  	[tilespmem:s14], [sflag:$0x1] =	stream.indirect.gather [hbm4b:s3+s12], $0x20, s12, s12, $0xb8;
	[tilespmem:$0x10800] =	vst v63  }
0xc7: {  	_ = 	snop  }
0xc8: {  	[tilespmem:s31], [sflag:$0x1] =	stream.indirect.gather [hbm4b:s3+s12], $0x20, s30, s12, $0xb8;
	[tilespmem:$0x10800] =	vst v63  }
0xc9: {  	s25 =	simm.s32 $0x180;
	s14 =	simm.s32 $0x3800  }
0xca: {  	[tilespmem:s14], [sflag:$0x1] =	stream.indirect.gather [hbm4b:s3+s12], $0x20, s25, s12, $0xb8;
	[tilespmem:$0x10800] =	vst v63  }
0xcb: {  	s14 =	simm.s32 $0x200;
	s25 =	simm.s32 $0x4800  }
0xcc: {  	[tilespmem:s25], [sflag:$0x1] =	stream.indirect.gather [hbm4b:s3+s12], $0x20, s14, s12, $0xb8;
	[tilespmem:$0x10800] =	vst v63  }
0xcd: {  	s14 =	simm.s32 $0x280;
	s25 =	simm.s32 $0x5800  }
0xce: {  	[tilespmem:s25], [sflag:$0x1] =	stream.indirect.gather [hbm4b:s3+s12], $0x20, s14, s12, $0xb8;
	[tilespmem:$0x10800] =	vst v63  }
0xcf: {  	s14 =	simm.s32 $0x300;
	s25 =	simm.s32 $0x6800  }
0xd0: {  	[tilespmem:s25], [sflag:$0x1] =	stream.indirect.gather [hbm4b:s3+s12], $0x20, s14, s12, $0xb8;
	[tilespmem:$0x10800] =	vst v63  }
0xd1: {  	s14 =	simm.s32 $0x380;
	s25 =	simm.s32 $0x7800  }
0xd2: {  	[tilespmem:s25], [sflag:$0x1] =	stream.indirect.gather [hbm4b:s3+s12], $0x20, s14, s12, $0xb8;
	[tilespmem:$0x10800] =	vst v63  }
0xd3: {  	_ =	swait.ge [sflag:s19], $0x1000  }
0xd4: {  	[sflag:s19] =	ssyncset.done $0x0  }
0xd5: {  	[sflag:s19] =	ssyncadd.s32 $0xFFFFF000  }
0xd6: {  	_ =	swait.ge [sflag:s19], $0x1000  }
0xd7: {  	[sflag:s19] =	ssyncset.done $0x0  }
0xd8: {  	[sflag:s19] =	ssyncadd.s32 $0xFFFFF000  }
0xd9: {  	_ =	swait.ge [sflag:s19], $0x1000  }
0xda: {  	[sflag:s19] =	ssyncset.done $0x0  }
0xdb: {  	[sflag:s19] =	ssyncadd.s32 $0xFFFFF000  }
0xdc: {  	_ =	swait.ge [sflag:s19], $0x1000  }
0xdd: {  	[sflag:s19] =	ssyncset.done $0x0  }
0xde: {  	[sflag:s19] =	ssyncadd.s32 $0xFFFFF000  }
0xdf: {  	_ =	swait.ge [sflag:s19], $0x1000  }
0xe0: {  	[sflag:s19] =	ssyncset.done $0x0  }
0xe1: {  	[sflag:s19] =	ssyncadd.s32 $0xFFFFF000  }
0xe2: {  	_ =	swait.ge [sflag:s19], $0x1000  }
0xe3: {  	[sflag:s19] =	ssyncset.done $0x0  }
0xe4: {  	[sflag:s19] =	ssyncadd.s32 $0xFFFFF000  }
0xe5: {  	_ =	swait.ge [sflag:s19], $0x1000  }
0xe6: {  	[sflag:s19] =	ssyncset.done $0x0  }
0xe7: {  	[sflag:s19] =	ssyncadd.s32 $0xFFFFF000  }
0xe8: {  	_ =	swait.ge [sflag:s19], $0x1000  }
0xe9: {  	[sflag:s19] =	ssyncset.done $0x0  }
0xea: {  	[sflag:s19] =	ssyncadd.s32 $0xFFFFF000  }
0xeb: {  	[hbm4b:s23+s2] =	stream.linear.scatter [tilespmem:s29], [sflag:$0x4], $0x8000, $0x38;
	[tilespmem:$0x10800] =	vst v63  }
0xec: {  	_ =	swait.ge [sflag:s20], $0x8000  }
0xed: {  	s14 =	rddreg [dreg:$0x4];
	[sflag:s20] =	ssyncset.done $0x0  }
0xee: {  	[sflag:s20] =	ssyncadd.s32 $0xFFFF8000;
	s24 =	sadd.s32 s24, s14  }
0xef: {  	[tilespmem:s28], [sflag:$0x5] =	stream.linear.gather [hbm4b:s24+s2], $0x400, $0x38;
	[tilespmem:$0x10800] =	vst v63  }
0xf0: {  	_ =	swait.ge [sflag:s11], $0x400  }
0xf1: {  	[sflag:s11] =	ssyncset.done $0x0  }
0xf2: {  	[sflag:s11] =	ssyncadd.s32 $0xFFFFFC00  }
0xf3: {  	[tilespmem:s29], [sflag:$0x2] =	stream.indirect.gather [hbm4b:s3+s12], $0x20, s28, s12, $0xb8;
	[tilespmem:$0x10800] =	vst v63  }
0xf4: {  	_ = 	snop  }
0xf5: {  	[tilespmem:s16], [sflag:$0x2] =	stream.indirect.gather [hbm4b:s3+s12], $0x20, s15, s12, $0xb8;
	[tilespmem:$0x10800] =	vst v63  }
0xf6: {  	_ = 	snop  }
0xf7: {  	[tilespmem:s1], [sflag:$0x2] =	stream.indirect.gather [hbm4b:s3+s12], $0x20, s26, s12, $0xb8;
	[tilespmem:$0x10800] =	vst v63  }
0xf8: {  	_ = 	snop  }
0xf9: {  	[tilespmem:s10], [sflag:$0x2] =	stream.indirect.gather [hbm4b:s3+s12], $0x20, s0, s12, $0xb8;
	[tilespmem:$0x10800] =	vst v63  }
0xfa: {  	p0 =	sne.s32 s21, $0x3000  }
0xfb: {  	[tilespmem:s6], [sflag:$0x2] =	stream.indirect.gather [hbm4b:s3+s12], $0x20, s5, s12, $0xb8;
	[tilespmem:$0x10800] =	vst v63  }
.Ltmp0:
0xfc: {  	_ = 	snop;
	(pc) =	sbr.rel @p0 .LBB2_2-.Ltmp0, $4  }
0xfd: {  	_ = 	snop  }
0xfe: {  	[tilespmem:s8], [sflag:$0x2] =	stream.indirect.gather [hbm4b:s3+s12], $0x20, s7, s12, $0xb8;
	[tilespmem:$0x10800] =	vst v63  }
0xff: {  	s21 =	sadd.s32 $0x100, s21;
	s22 =	sadd.s32 $0x2000, s22;
	s23 =	sadd.s32 $0x2000, s23  }
0x100: {  	[tilespmem:s9], [sflag:$0x2] =	stream.indirect.gather [hbm4b:s3+s12], $0x20, s4, s12, $0xb8;
	[tilespmem:$0x10800] =	vst v63  }
0x101: {  	s0 =	simm.s32 $0x780;
	s1 =	simm.s32 $0xF800  }
0x102: {  	[tilespmem:s1], [sflag:$0x2] =	stream.indirect.gather [hbm4b:s3+s12], $0x20, s0, s12, $0xb8;
	[tilespmem:$0x10800] =	vst v63  }
0x103: {  	_ =	swait.ge [sflag:s17], $0x1000  }
0x104: {  	[sflag:s17] =	ssyncset.done $0x0  }
0x105: {  	[sflag:s17] =	ssyncadd.s32 $0xFFFFF000  }
0x106: {  	_ =	swait.ge [sflag:s17], $0x1000  }
0x107: {  	[sflag:s17] =	ssyncset.done $0x0  }
0x108: {  	[sflag:s17] =	ssyncadd.s32 $0xFFFFF000  }
0x109: {  	_ =	swait.ge [sflag:s17], $0x1000  }
0x10a: {  	[sflag:s17] =	ssyncset.done $0x0  }
0x10b: {  	[sflag:s17] =	ssyncadd.s32 $0xFFFFF000  }
0x10c: {  	_ =	swait.ge [sflag:s17], $0x1000  }
0x10d: {  	[sflag:s17] =	ssyncset.done $0x0  }
0x10e: {  	[sflag:s17] =	ssyncadd.s32 $0xFFFFF000  }
0x10f: {  	_ =	swait.ge [sflag:s17], $0x1000  }
0x110: {  	[sflag:s17] =	ssyncset.done $0x0  }
0x111: {  	[sflag:s17] =	ssyncadd.s32 $0xFFFFF000  }
0x112: {  	_ =	swait.ge [sflag:s17], $0x1000  }
0x113: {  	[sflag:s17] =	ssyncset.done $0x0  }
0x114: {  	[sflag:s17] =	ssyncadd.s32 $0xFFFFF000  }
0x115: {  	_ =	swait.ge [sflag:s17], $0x1000  }
0x116: {  	[sflag:s17] =	ssyncset.done $0x0  }
0x117: {  	[sflag:s17] =	ssyncadd.s32 $0xFFFFF000  }
0x118: {  	_ =	swait.ge [sflag:s17], $0x1000  }
0x119: {  	[sflag:s17] =	ssyncset.done $0x0  }
0x11a: {  	s21 =	rddreg [dreg:$0x8];
	[sflag:s17] =	ssyncadd.s32 $0xFFFFF000  }
0x11b: {  	[hbm4b:s21+s2] =	stream.linear.scatter [tilespmem:s13], [sflag:$0x3], $0x8000, $0x38;
	[tilespmem:$0x10800] =	vst v63  }
0x11c: {  	_ =	swait.ge [sflag:s19], $0x1000  }
0x11d: {  	[sflag:s19] =	ssyncset.done $0x0  }
0x11e: {  	[sflag:s19] =	ssyncadd.s32 $0xFFFFF000  }
0x11f: {  	_ =	swait.ge [sflag:s19], $0x1000  }
0x120: {  	[sflag:s19] =	ssyncset.done $0x0  }
0x121: {  	[sflag:s19] =	ssyncadd.s32 $0xFFFFF000  }
0x122: {  	_ =	swait.ge [sflag:s19], $0x1000  }
0x123: {  	[sflag:s19] =	ssyncset.done $0x0  }
0x124: {  	[sflag:s19] =	ssyncadd.s32 $0xFFFFF000  }
0x125: {  	_ =	swait.ge [sflag:s19], $0x1000  }
0x126: {  	[sflag:s19] =	ssyncset.done $0x0  }
0x127: {  	[sflag:s19] =	ssyncadd.s32 $0xFFFFF000  }
0x128: {  	_ =	swait.ge [sflag:s19], $0x1000  }
0x129: {  	[sflag:s19] =	ssyncset.done $0x0  }
0x12a: {  	[sflag:s19] =	ssyncadd.s32 $0xFFFFF000  }
0x12b: {  	_ =	swait.ge [sflag:s19], $0x1000  }
0x12c: {  	[sflag:s19] =	ssyncset.done $0x0  }
0x12d: {  	[sflag:s19] =	ssyncadd.s32 $0xFFFFF000  }
0x12e: {  	_ =	swait.ge [sflag:s19], $0x1000  }
0x12f: {  	[sflag:s19] =	ssyncset.done $0x0  }
0x130: {  	[sflag:s19] =	ssyncadd.s32 $0xFFFFF000  }
0x131: {  	_ =	swait.ge [sflag:s19], $0x1000  }
0x132: {  	[sflag:s19] =	ssyncset.done $0x0  }
0x133: {  	s24 =	rddreg [dreg:$0x9];
	[sflag:s19] =	ssyncadd.s32 $0xFFFFF000  }
0x134: {  	[hbm4b:s24+s2] =	stream.linear.scatter [tilespmem:s29], [sflag:$0x4], $0x8000, $0x38;
	[tilespmem:$0x10800] =	vst v63  }
0x135: {  	_ =	swait.ge [sflag:s18], $0x8000  }
0x136: {  	[sflag:s18] =	ssyncset.done $0x0  }
0x137: {  	s23 =	simm.s32 $0x1800;
	[sflag:s18] =	ssyncadd.s32 $0xFFFF8000  }
0x138: {  	s5 =	simm.s32 $0x200;
	s6 =	simm.s32 $0x4800;
	_ =	swait.ge [sflag:s20], $0x8000  }
0x139: {  	s7 =	simm.s32 $0x280;
	s8 =	simm.s32 $0x5800;
	s25 =	rddreg [dreg:$0xd]  }
0x13a: {  	s4 =	simm.s32 $0x300;
	s26 =	rddreg [dreg:$0xa];
	s0 =	sadd.s32 $0x1, s25  }
0x13b: {  	s9 =	simm.s32 $0x6800;
	s10 =	simm.s32 $0x380;
	p0 =	sne.s32 s0, s26  }
.Ltmp1:
0x13c: {  	s14 =	simm.s32 $0x7800;
	s15 =	simm.s32 $0x480;
	(pc) =	sbr.rel @p0 .LBB2_1-.Ltmp1, $4  }
0x13d: {  	s16 =	simm.s32 $0x9800;
	s30 =	simm.s32 $0xA800;
	s31 =	simm.s32 $0x580  }
0x13e: {  	s22 =	simm.s32 $0xB800;
	s1 =	simm.s32 $0x180;
	[sflag:s20] =	ssyncset.done $0x0  }
0x13f: {  	s24 =	simm.s32 $0x100;
	[sflag:s20] =	ssyncadd.s32 $0xFFFF8000;
	s25 =	simm.s32 $0x2800  }
0x140: {  	[dreg:$0xd] =	wrdreg s0;
	s0 =	simm.s32 $0x3800;
	s26 =	simm.s32 $0x500  }
0x141: {  	_ =	sfence.sel $0x180000  }
0x142: {  	[bflag:$0x0] =	sbarrier.arrive $0xFFFF  }
0x143: {  	_ =	strace $0x90000047  }
0x144: {  	s0 =	stileid.u32;
	[bflag:$0x2] =	sbarrier.arrive $0xFFFF  }
0x145: {  	p0 =	sne.s32 s0, $0x0;
	s0 =	rddreg [dreg:$0x3]  }
0x146: {  	s0 =	sadd.s32 @!p0 $0x100000, s0  }
0x147: {  	[sflag:s0] =	ssyncadd.tile.s32 @!p0 $0x1;
	_ =	shalt  }
.Lfunc_end2:
_tile_overlayer_lowered:
.L_overlay_start_2:
0x148: {  	(tag) =	ssettag $0x2  }
0x149: {  	s0 =	rddreg [dreg:$0x0];
	s2 =	stileid.u32  }
0x14a: {  	s1 =	rddreg [dreg:$0x1];
	p0 =	sne.s32 s2, $0x0  }
0x14b: {  	s3 =	rddreg [dreg:$0x2];
	[bflag:$0x3] =	sbarrier.arrive $0xFFFF;
	s2 =	simm.s32 @!p0 $0x1C05  }
0x14c: {  	[timem:s3], [sflag:s2] =	dma.local @!p0 [hbm:s0], s1  }
0x14d: {  	s0 =	simm.s32 @!p0 $0x5  }
0x14e: {  	_ =	swait.ge @!p0 [sflag:s0], s1  }
0x14f: {  	s1 =	ssub.s32 @!p0 $0x0, s1;
	[sflag:s0] =	ssyncset.done @!p0 $0x0  }
0x150: {  	[sflag:s0] =	ssyncadd.s32 @!p0 s1  }
0x151: {  	[bflag:$0x3] =	sbarrier.arrive $0xFFFF  }
0x152: {  	_ =	shalt  }

// kernel: sparse-core-data-format-call.cloned.1.call-start
scs
called_computation_lowered:
.L_overlay_start_0:
0x0: {  	s2 =	sld [smem:$0x3FD9]  }
0x1: {  	s3 =	sld [smem:$0x3FFE];
	_ =	sdelay $0x1  }
0x2: {  	s1 =	srdreg.scid  }
0x3: {  	s0 =	sand.u32 $0x1, s1  }
0x4: {  	s18 =	sshll.u32 s0, $0xA;
	s2 =	sadd.s32 s3, s2  }
0x5: {  	s2 =	sadd.s32 s2, s18  }
0x6: {  	[smem:$0x3FC6] =	sst s2  }
0x7: {  	_ = 	snop  }
0x8: {  	s2 =	sld [smem:$0x3FD0];
	(tm) =	ssettm $0x1  }
0x9: {  	s19 =	sld [smem:$0x3FFB];
	_ =	sdelay $0x3  }
0xa: {  	_ =	strace s19  }
0xb: {  	s3 =	sld [smem:$0x3FFC];
	_ =	sdelay $0x3  }
0xc: {  	_ =	strace s3  }
0xd: {  	s3 =	sld [smem:$0x3FFD];
	_ =	sdelay $0x3  }
0xe: {  	_ =	strace s3  }
0xf: {  	_ =	strace $0x8FFFFFFF  }
0x10: {  	s20 =	sld [smem:$0x3FDB];
	_ =	sdelay $0x1  }
0x11: {  	s4 =	simm.s32 $_scs_section_size  }
0x12: {  	s5 =	simm.s32 $_size__tile_overlayer_lowered;
	s6 =	simm.s32 $_tile_overlayer_lowered  }
0x13: {  	s23 =	simm.s32 $0x1BFF;
	s22 =	sshll.u32 s6, $0x1;
	s3 =	sadd.s32 s4, s20  }
0x14: {  	s7 =	simm.s32 $0x0;
	s21 =	sshll.u32 s5, $0x1;
	s5 =	sadd.s32 s22, s3  }
0x15: {  	[timem:s7], [sflag:s23] =	dma.local [hbm:s5], s21  }
0x16: {  	_ =	swait.ge [sflag:s23], s21  }
0x17: {  	s4 =	ssub.s32 $0x0, s21;
	[sflag:s23] =	ssyncset.done $0x0  }
0x18: {  	[sflag:s23] =	ssyncadd.s32 s4;
	_ =	sdelay $0x1  }
0x19: {  	s24 =	simm.s32 $0x1B8B  }
0x1a: {  	_ =	swait.ge [sflag:s24], $0x1  }
0x1b: {  	[sflag:s24] =	ssyncset.done $0x0  }
0x1c: {  	s26 =	simm.s32 $0x1B8E;
	s25 =	sld [smem:$0x3FFE];
	[sflag:s24] =	ssyncadd.s32 $0xFFFFFFFF  }
0x1d: {  	s27 =	simm.s32 $execute0_lowered;
	[smem:$0x3FD2] =	sst s26  }
0x1e: {  	s5 =	sshll.u32 s27, $0x1;
	_ =	strace $0x80000049;
	[dreg:$0x1] =	wrdreg $0xFFFFFFFF  }
0x1f: {  	s28 =	simm.s32 $_size_execute0_lowered;
	s3 =	sadd.s32 s3, s5;
	[dreg:$0x0] =	wrdreg $0x0  }
0x20: {  	s5 =	sshll.u32 s28, $0x1;
	[dreg:$0x2] =	wrdreg s3  }
0x21: {  	[dreg:$0x3] =	wrdreg s5  }
0x22: {  	[dreg:$0x4] =	wrdreg $0xC0  }
0x23: {  	_ =	task [dreg:s7], $0x5FFFF  }
0x24: {  	[dreg:$0x1] =	wrdreg $0xFFFFFFFF  }
0x25: {  	[dreg:$0x0] =	wrdreg $0x60  }
0x26: {  	[dreg:$0x2] =	wrdreg s25  }
0x27: {  	[dreg:$0x3] =	wrdreg s2  }
0x28: {  	[dreg:$0x4] =	wrdreg $0x9  }
0x29: {  	_ =	task.clear_ibuf [dreg:s7], $0x5FFFF;
	_ =	strace $0x90000049  }
0x2a: {  	s29 =	simm.s32 $0x9;
	_ =	strace $0x8000004B  }
0x2b: {  	_ =	swait.ge [sflag:s29], $0x1  }
0x2c: {  	[sflag:s29] =	ssyncadd.s32 $0xFFFFFFFF  }
0x2d: {  	_ =	strace $0x9000004B  }
0x2e: {  	_ =	sfence  }
0x2f: {  	s30 =	sld [smem:$0x0];
	_ =	sdelay $0x2  }
0x30: {  	s31 =	sshll.u32 s1, $0xD;
	s1 =	sshrl.u32 s1, $0x2  }
0x31: {  	s3 =	sand.u32 $0x4000, s31;
	s1 =	sadd.s32 s1, s30  }
0x32: {  	s0 =	sor.u32 s3, s0;
	s1 =	sshll.u32 s1, $0x11  }
0x33: {  	s0 =	sor.u32 s1, s0  }
0x34: {  	s0 =	sadd.s32 $0x8F2B, s0  }
0x35: {  	[sflag:s0] =	ssyncadd.remote.s32 $0x1  }
0x36: {  	_ =	sfence.sel $0xFFFF  }
0x37: {  	[dreg:$0x0] =	wrdreg $0xFFFFFFFF;
	(pc) =	sbr.abs _section_cstart, $3  }
0x38: {  	[dreg:$0x1] =	wrdreg $0xFFFFFFFF  }
0x39: {  	_ =	task.clear_ibuf [dreg:s7], $0x2FFFF;
	_ =	strace $0x9FFFFFFF  }
0x3a: {  	(tm) =	ssettm $0x7FFFFFFF  }
0x3b: {  	_ =	shalt  }
tec
execute0_lowered:
.L_overlay_start_1:
0x0: {  	(tag) =	ssettag $0x1  }
0x1: {  	s0 =	srdreg.scid  }
0x2: {  	s1 =	sshll.u32 s0, $0x4  }
0x3: {  	s4 =	rddreg [dreg:$0x0];
	s0 =	stileid.u32;
	s1 =	sand.u32 $0x10, s1  }
0x4: {  	s2 =	rddreg [dreg:$0x1];
	s7 =	simm.s32 $0x1;
	s1 =	sor.u32 s0, s1  }
0x5: {  	s8 =	simm.s32 $0x2;
	s11 =	simm.s32 $0x0;
	s3 =	sshll.u32 s1, $0x7  }
0x6: {  	s10 =	simm.s32 $0x0;
	s4 =	sadd.s32 $0x800, s4;
	s6 =	ssub.s32 $0x320000, s3  }
.Ltmp0:
0x7: {  	s1 =	rddreg [dreg:$0x2];
	s5 =	sand.u32 $0xF80, s6;
	(pc) =	sbr.rel .LBB1_1-.Ltmp0, $4  }
0x8: {  	_ =	strace $0x8000004A;
	s9 =	smov.u32 s3;
	p0 =	sne.s32 s5, $0x0  }
0x9: {  	s6 =	sshrl.u32 s6, $0xC;
	s5 =	simm.s32 $0x1;
	s7 =	simm.s32 @!p0 $0x0  }
0xa: {  	[sflag:s5] =	ssyncpa.u1 $0x0;
	p0 =	por $0x0, $0x0;
	s6 =	sadd.s32 s7, s6  }
0xb: {  	[sflag:s8] =	ssyncpa.u1 $0x0;
	s8 =	simm.s32 $0x1900000;
	s7 =	sadd.s32 $0x1, s6  }
.LBB1_4:
0xc: {  	s14 =	sshll.u32 s11, $0x3  }
0xd: {  	s30 =	sand.u32 $0x7F, s11;
	s15 =	sand.u32 $0xFFFFFC00, s14  }
0xe: {  	s11 =	sor.u32 s30, s15  }
0xf: {  	s15 =	smulhi.u32 $0x51EB851F, s11  }
0x10: {  	s14 =	smulhi.u32 $0x51EB851F, s14  }
0x11: {  	s15 =	sshrl.u32 s15, $0x14  }
0x12: {  	s14 =	sshrl.u32 s14, $0x14;
	s15 =	smul.u32 $0x320000, s15  }
0x13: {  	s14 =	sand.u32 $0x1F, s14  }
0x14: {  	s14 =	smul.u32 $0x64000, s14;
	s11 =	ssub.s32 s11, s15  }
0x15: {  	s15 =	sand.u32 $0x7, s11  }
0x16: {  	s14 =	sadd.s32 s2, s14;
	s11 =	sshrl.u32 s11, $0x3;
	s15 =	sshll.u32 s15, $0x12  }
0x17: {  	[tilespmem:s13+$0x0 ss:$0x81] =	vst.msk $0xffff, v0;
	s11 =	sadd.s32 s11, s14;
	s31 =	sor.u32 $0x400, s15  }
0x18: {  	[hbm4b:s11+s31] =	stream.strided.scatter [tilespmem:s12], [sflag:$0x2], $0x1000, s8, s31, $0x20;
	[tilespmem:$0x4040] =	vst v63  }
.LBB1_5:
0x19: {  	s13 =	sadd.s32 $0x1000, s9  }
0x1a: {  	p2 =	sgt.s32 s13, $0x31FFFF  }
0x1b: {  	s13 =	smov.u32 @p2 s3;
	p2 =	sne.s32 s10, s7  }
.Ltmp1:
0x1c: {  	p1 =	slt.u32 s10, $0x2;
	(pc) =	sbr.rel @!p2 .LBB1_6-.Ltmp1, $4  }
0x1d: {  	s12 =	simm.s32 @!p1 $0x2  }
0x1e: {  	s14 =	sadd.s32 $0x1, s10;
	_ =	swait.ge @!p1 [sflag:s12], $0x1000  }
0x1f: {  	s11 =	smov.u32 s9;
	p0 =	por !p0, !p0;
	[sflag:s12] =	ssyncset.done @!p1 $0x0  }
0x20: {  	s10 =	smov.u32 s14;
	s9 =	smov.u32 s13;
	[sflag:s12] =	ssyncadd.s32 @!p1 $0xFFFFF000  }
.LBB1_1:
0x21: {  	p1 =	sge.u32 s10, s6  }
0x22: {  	s12 =	sand.u32 @!p1 $0x1FFFFFF, s9  }
0x23: {  	s13 =	smulhi.u32 @!p1 $0x147AE15, s12;
	_ =	sdelay $0x1  }
0x24: {  	s13 =	sshrl.u32 @!p1 s13, $0xE  }
0x25: {  	s13 =	smul.u32 @!p1 $0x320000, s13;
	_ =	sdelay $0x1  }
0x26: {  	s31 =	sadd.s32 $0xFFFFFFFF, s10;
	s14 =	sxor.u32 @!p1 $0xFFFFFFFF, s10;
	s12 =	ssub.s32 @!p1 s12, s13  }
0x27: {  	s15 =	simm.s32 @!p1 $0x80;
	s14 =	sshll.u32 @!p1 s14, $0xC;
	s12 =	sshll.u32 @!p1 s12, $0x4  }
0x28: {  	s13 =	sand.u32 @!p1 $0x1000, s14;
	s14 =	simm.s32 @!p1 $0x20;
	s12 =	sadd.s32 @!p1 s4, s12  }
0x29: {  	[tilespmem:s13], [sflag:$0x1] =	stream.strided.gather @!p1 [hbm4b:s12+s14], $0x1000, s15, s14, $0x38;
	[tilespmem:$0x4040] =	vst v63  }
0x2a: {  	p1 =	sge.u32 s31, s6  }
.Ltmp2:
0x2b: {  	_ = 	snop;
	(pc) =	sbr.rel @p1 .LBB1_5-.Ltmp2, $1  }
0x2c: {  	_ =	sdelay $0x3  }
0x2d: {  	s12 =	simm.s32 $0x1  }
0x2e: {  	_ =	swait.ge [sflag:s5], $0x1000;
	s12 =	simm.s32 @!p0 $0x0  }
0x2f: {  	[sflag:s5] =	ssyncset.done $0x0;
	s13 =	sshll.u32 s12, $0xC  }
0x30: {  	[sflag:s5] =	ssyncadd.s32 $0xFFFFF000;
	s16 =	sor.u32 $0x10, s13  }
0x31: {  	s12 =	smul.u32 $0x4080, s12;
	v1 =	vld [tilespmem:s16+$0x0]  }
0x32: {  	s30 =	sand.u32 $0x1, s10;
	v0 =	vld [tilespmem:s16+$0xFFFFFFF0]  }
0x33: {  	s13 =	smul.u32 $0x4080, s30;
	s12 =	sshrl.u32 s12, $0x2  }
0x34: {  	s14 =	sor.u32 $0x2000, s12  }
0x35: {  	s31 =	sshrl.u32 s13, $0x2;
	s13 =	sadd.s32 $0x0, s14  }
0x36: {  	s15 =	simm.s32 $0x4;
	s16 =	sadd.s32 $0x20, s16;
	s12 =	sor.u32 $0x2000, s31;
	[tilespmem:s13+$0x810 ss:$0x81] =	vst.msk $0xffff, v1  }
.LBB1_3:
0x37: {  	v1 =	vld [tilespmem:s16+$0x0];
	p1 =	sne.s32 s15, $0x1FC;
	[tilespmem:s13+$0x0 ss:$0x81] =	vst.msk $0xffff, v0;
	s13 =	smov.u32 s15;
	s15 =	sadd.s32 $0x4, s15  }
.Ltmp3:
0x38: {  	v0 =	vld [tilespmem:s16+$0xFFFFFFF0];
	(pc) =	sbr.rel @p1 .LBB1_3-.Ltmp3, $4  }
0x39: {  	_ = 	snop  }
0x3a: {  	s13 =	sshra.s32 s13, $0x2  }
0x3b: {  	s13 =	sadd.s32 s13, s14  }
0x3c: {  	s16 =	sadd.s32 $0x20, s16;
	[tilespmem:s13+$0x810 ss:$0x81] =	vst.msk $0xffff, v1  }
.Ltmp4:
0x3d: {  	_ = 	snop;
	(pc) =	sbr.rel .LBB1_4-.Ltmp4, $1  }
0x3e: {  	_ =	sdelay $0x3  }
.LBB1_6:
0x3f: {  	_ =	sfence.sel $0x180000  }
0x40: {  	s2 =	simm.s32 $0x1;
	[bflag:$0x0] =	sbarrier.arrive $0xFFFF  }
0x41: {  	s31 =	simm.s32 $0x2;
	[sflag:s2] =	ssyncpa.u1 $0x1  }
0x42: {  	[sflag:s31] =	ssyncpa.u1 $0x1  }
0x43: {  	p0 =	sne.s32 s0, $0x0;
	_ =	strace $0x9000004A  }
0x44: {  	s0 =	sadd.s32 @!p0 $0x100000, s1;
	[bflag:$0x2] =	sbarrier.arrive $0xFFFF  }
0x45: {  	[sflag:s0] =	ssyncadd.tile.s32 @!p0 $0x1;
	_ =	shalt  }
.Lfunc_end1:
_tile_overlayer_lowered:
.L_overlay_start_2:
0x46: {  	(tag) =	ssettag $0x2  }
0x47: {  	s0 =	rddreg [dreg:$0x0];
	s2 =	stileid.u32  }
0x48: {  	s1 =	rddreg [dreg:$0x1];
	p0 =	sne.s32 s2, $0x0  }
0x49: {  	s3 =	rddreg [dreg:$0x2];
	[bflag:$0x3] =	sbarrier.arrive $0xFFFF;
	s2 =	simm.s32 @!p0 $0x1C01  }
0x4a: {  	[timem:s3], [sflag:s2] =	dma.local @!p0 [hbm:s0], s1  }
0x4b: {  	s0 =	simm.s32 @!p0 $0x1  }
0x4c: {  	_ =	swait.ge @!p0 [sflag:s0], s1  }
0x4d: {  	s1 =	ssub.s32 @!p0 $0x0, s1;
	[sflag:s0] =	ssyncset.done @!p0 $0x0  }
0x4e: {  	[sflag:s0] =	ssyncadd.s32 @!p0 s1  }
0x4f: {  	[bflag:$0x3] =	sbarrier.arrive $0xFFFF  }
0x50: {  	_ =	shalt  }

</sc_bundles>
